<compile_context>
chip_gen: v7x
topology: tpu7x:2x2x1
jax: 0.10.2.dev20260603
libtpu: 0.0.44.dev20260713+nightly
codegen_flags: <defaults>
</compile_context>

<pallas_src>
import functools

import jax
import jax.numpy as jnp
from jax import lax
from jax.experimental import pallas as pl
from jax.experimental.pallas import tpu as pltpu
from jax.experimental.pallas import tpu_sc as plsc

_E = 16
_ALPHA = 0.01
_NW = 32
_LANES = 16
_BLK_ROWS = 1024


def _matmul_body(rows_per_w, w_ref, x_ref, out_ref):
    res = jax.lax.dot_general(
        w_ref[...], x_ref[...],
        dimension_numbers=(((1,), (1,)), ((), ())),
        preferred_element_type=jnp.float32,
    )
    w_per_blk = out_ref.shape[0]
    for j in range(w_per_blk):
        out_ref[j] = res[:, j * rows_per_w:(j + 1) * rows_per_w]


def _routing_body(rows_per_w, n, lg_hbm, scores_hbm, idx_hbm, counts_hbm,
                  lg_v, s1_v, s2_v, i1_v, i2_v, cnt_v):
    cid = lax.axis_index("c")
    sid = lax.axis_index("s")
    wid = sid * 2 + cid
    base = wid * rows_per_w

    pltpu.sync_copy(lg_hbm.at[wid], lg_v)

    neg_inf = jnp.full((_LANES,), -jnp.inf, jnp.float32)
    zeros_i = jnp.zeros((_LANES,), jnp.int32)
    zeros_f = jnp.zeros((_LANES,), jnp.float32)
    groups = rows_per_w // _LANES

    def group(g, acc):
        m1, m2 = neg_inf, neg_inf
        i1, i2 = zeros_i, zeros_i
        for e in range(_E):
            c = lg_v[e, pl.ds(g * _LANES, _LANES)]
            es = jnp.full((_LANES,), e, jnp.int32)
            gt1 = c > m1
            gt2 = c > m2
            m2 = jnp.where(gt1, m1, jnp.where(gt2, c, m2))
            i2 = jnp.where(gt1, i1, jnp.where(gt2, es, i2))
            m1 = jnp.where(gt1, c, m1)
            i1 = jnp.where(gt1, es, i1)
        t = jnp.exp(m2 - m1)
        denom = 1.0 + t
        p1 = 1.0 / denom
        p2 = t / denom
        sl = pl.ds(g * _LANES, _LANES)
        s1_v[sl] = p1
        s2_v[sl] = p2
        i1_v[sl] = i1
        i2_v[sl] = i2
        return tuple(
            acc[e]
            + jnp.where(i1 == e, 1.0, 0.0)
            + jnp.where(i2 == e, 1.0, 0.0)
            for e in range(_E)
        )

    acc = lax.fori_loop(0, groups, group, (zeros_f,) * _E)
    for e in range(_E):
        cnt_v[e] = acc[e]

    pltpu.sync_copy(s1_v, scores_hbm.at[pl.ds(base, rows_per_w)])
    pltpu.sync_copy(s2_v, scores_hbm.at[pl.ds(n + base, rows_per_w)])
    pltpu.sync_copy(i1_v, idx_hbm.at[pl.ds(base, rows_per_w)])
    pltpu.sync_copy(i2_v, idx_hbm.at[pl.ds(n + base, rows_per_w)])
    pltpu.sync_copy(cnt_v, counts_hbm.at[wid])


def _loss_body(n_tokens, cnt_ref, out_ref):
    counts = jnp.sum(cnt_ref[...], axis=(0, 2))
    load = counts * (1.0 / n_tokens)
    d = load - (1.0 / _E)
    out_ref[0, 0] = _ALPHA * jnp.sum(d * d)


def kernel(x, W):
    bsz, seq, h = x.shape
    n = bsz * seq
    rows_per_w = n // _NW
    x_flat = x.reshape(n, h)

    blk = _BLK_ROWS
    w_per_blk = blk // rows_per_w
    logits = pl.pallas_call(
        functools.partial(_matmul_body, rows_per_w),
        grid=(n // blk,),
        in_specs=[
            pl.BlockSpec((_E, h), lambda i: (0, 0)),
            pl.BlockSpec((blk, h), lambda i: (i, 0)),
        ],
        out_specs=pl.BlockSpec((w_per_blk, _E, rows_per_w),
                               lambda i: (i, 0, 0)),
        out_shape=jax.ShapeDtypeStruct((_NW, _E, rows_per_w), jnp.float32),
    )(W, x_flat)

    mesh = plsc.VectorSubcoreMesh(
        core_axis_name="c", subcore_axis_name="s",
        num_cores=2, num_subcores=16)
    route = pl.kernel(
        functools.partial(_routing_body, rows_per_w, n),
        out_type=[
            jax.ShapeDtypeStruct((n * 2,), jnp.float32),
            jax.ShapeDtypeStruct((n * 2,), jnp.int32),
            jax.ShapeDtypeStruct((_NW, _E, _LANES), jnp.float32),
        ],
        mesh=mesh,
        scratch_types=[
            pltpu.VMEM((_E, rows_per_w), jnp.float32),
            pltpu.VMEM((rows_per_w,), jnp.float32),
            pltpu.VMEM((rows_per_w,), jnp.float32),
            pltpu.VMEM((rows_per_w,), jnp.int32),
            pltpu.VMEM((rows_per_w,), jnp.int32),
            pltpu.VMEM((_E, _LANES), jnp.float32),
        ],
    )
    scores_flat, idx_flat, pcounts = route(logits)

    loss = pl.pallas_call(
        functools.partial(_loss_body, n),
        out_shape=jax.ShapeDtypeStruct((1, 1), jnp.float32),
        out_specs=pl.BlockSpec(memory_space=pltpu.SMEM),
    )(pcounts)

    scores = scores_flat.reshape(2, n).T
    idx = idx_flat.reshape(2, n).T
    return scores, idx, loss[0, 0]

# --- scband reference (transcript-rebuilt; emitter-appended) ---
"""Pipeline reference for scband-mo-egate-43928925503869 (READ-ONLY COPY).

The authoritative reference and input builder live on the scoring server;
editing this copy changes nothing except your own understanding.
"""

import jax, jax.numpy as jnp
import numpy as np

B, S, HIDDEN = 4, 4096, 2048
E = 16
TOPK = 2
ALPHA = 0.01
TEMPERATURE = 1.0


def setup_inputs(seed: int = 0) -> dict:
    key = jax.random.key(seed)
    k1, k2 = jax.random.split(key)
    x = jax.random.normal(k1, (B, S, HIDDEN), dtype=jnp.float32)
    W = jax.random.normal(k2, (E, HIDDEN), dtype=jnp.float32) * 0.02
    return {"x": x, "W": W}


def reference(x, W):
    # eval-mode forward: no noise, no usage-count buffer update
    bsz, seq, h = x.shape
    x_flat = x.reshape(-1, h)
    logits = x_flat @ W.T
    logits = logits / TEMPERATURE
    scores, idx = jax.lax.top_k(logits, TOPK)
    n = x_flat.shape[0]
    expert_mask = jnp.zeros((n, E), dtype=jnp.float32)
    expert_mask = expert_mask.at[jnp.arange(n)[:, None], idx].set(1.0)
    current_usage = expert_mask.sum(axis=0)
    expert_load = current_usage.astype(jnp.float32) / n
    ideal_load = jnp.ones_like(expert_load) / E
    load_balance_loss = ALPHA * jnp.sum((expert_load - ideal_load) ** 2)
    scores = jax.nn.softmax(scores.astype(jnp.float32), axis=-1).astype(x.dtype)
    return scores, idx, load_balance_loss

if __name__ == "__main__":
    import jax
    _d = setup_inputs()
    print(jax.jit(kernel)(*tuple(_d.values())))

</pallas_src>

<mosaic_0001>
#map = affine_map<(d0, d1) -> (0, 0, 0)>
#map1 = affine_map<(d0, d1) -> (0)>
module attributes {stable_mosaic.version = 14 : i64} {
  func.func @_routing_body(%arg0: i32, %arg1: i32, %arg2: memref<32x16x512xf32, #tpu.memory_space<hbm>>, %arg3: memref<32768xf32, #tpu.memory_space<hbm>>, %arg4: memref<32768xi32, #tpu.memory_space<hbm>>, %arg5: memref<32x16x16xf32, #tpu.memory_space<hbm>>, %arg6: memref<16x512xf32, #tpu.memory_space<vmem>>, %arg7: memref<512xf32, #tpu.memory_space<vmem>>, %arg8: memref<512xf32, #tpu.memory_space<vmem>>, %arg9: memref<512xi32, #tpu.memory_space<vmem>>, %arg10: memref<512xi32, #tpu.memory_space<vmem>>, %arg11: memref<16x16xf32, #tpu.memory_space<vmem>>) attributes {dimension_semantics = [#tpu.dimension_semantics<core_parallel>, #tpu.dimension_semantics<subcore_parallel>], iteration_bounds = array<i64: 2, 16>, scalar_prefetch = 0 : i64, scratch_operands = 6 : i64, tpu.core_type = #tpu.core_type<sc_vector_subcore>, window_params = [{transform_indices = #map}, {transform_indices = #map1}, {transform_indices = #map1}, {transform_indices = #map}]} {
    %mul3A = arith.constant 2 : i32
    %mul3A_0 = arith.muli %arg1, %mul3A : i32
    %add3A = arith.addi %mul3A_0, %arg0 : i32
    %mul3A_1 = arith.constant 512 : i32
    %mul3A_2 = arith.muli %add3A, %mul3A_1 : i32
    "tpu.region"() ({
      %run_scoped3A = tpu.sem_alloc : memref<!tpu.dma_semaphore, #tpu.memory_space<semaphore_mem>>
      %dma_start3A = arith.constant 0 : i32
      %dma_start3A_112 = arith.constant 0 : i32
      %dma_start3A_113 = tpu.memref_slice %arg2[%add3A, %dma_start3A, %dma_start3A_112] : memref<32x16x512xf32, #tpu.memory_space<hbm>> -> memref<1x16x512xf32, #tpu.memory_space<hbm>>
      %dma_start3A_114 = tpu.memref_squeeze %dma_start3A_113 : memref<1x16x512xf32, #tpu.memory_space<hbm>> -> memref<16x512xf32, #tpu.memory_space<hbm>>
      %dma_start3A_115 = arith.constant 0 : i32
      %dma_start3A_116 = arith.constant 0 : i32
      %dma_start3A_117 = tpu.memref_slice %arg2[%add3A, %dma_start3A_115, %dma_start3A_116] : memref<32x16x512xf32, #tpu.memory_space<hbm>> -> memref<1x16x512xf32, #tpu.memory_space<hbm>>
      %dma_start3A_118 = tpu.memref_squeeze %dma_start3A_117 : memref<1x16x512xf32, #tpu.memory_space<hbm>> -> memref<16x512xf32, #tpu.memory_space<hbm>>
      tpu.enqueue_dma source(%dma_start3A_118 : memref<16x512xf32, #tpu.memory_space<hbm>>) target(%arg6 : memref<16x512xf32, #tpu.memory_space<vmem>>) target_semaphore(%run_scoped3A : memref<!tpu.dma_semaphore, #tpu.memory_space<semaphore_mem>>)
      %dma_wait3A = arith.constant 0 : i32
      %dma_wait3A_119 = arith.constant 0 : i32
      %dma_wait3A_120 = tpu.memref_slice %arg2[%add3A, %dma_wait3A, %dma_wait3A_119] : memref<32x16x512xf32, #tpu.memory_space<hbm>> -> memref<1x16x512xf32, #tpu.memory_space<hbm>>
      %dma_wait3A_121 = tpu.memref_squeeze %dma_wait3A_120 : memref<1x16x512xf32, #tpu.memory_space<hbm>> -> memref<16x512xf32, #tpu.memory_space<hbm>>
      %dma_wait3A_122 = arith.constant 0 : i32
      %dma_wait3A_123 = arith.constant 0 : i32
      %dma_wait3A_124 = tpu.memref_slice %arg2[%add3A, %dma_wait3A_122, %dma_wait3A_123] : memref<32x16x512xf32, #tpu.memory_space<hbm>> -> memref<1x16x512xf32, #tpu.memory_space<hbm>>
      %dma_wait3A_125 = tpu.memref_squeeze %dma_wait3A_124 : memref<1x16x512xf32, #tpu.memory_space<hbm>> -> memref<16x512xf32, #tpu.memory_space<hbm>>
      tpu.wait_dma2 semaphore(%run_scoped3A : memref<!tpu.dma_semaphore, #tpu.memory_space<semaphore_mem>>) src(%dma_wait3A_125 : memref<16x512xf32, #tpu.memory_space<hbm>>) dst(%arg6 : memref<16x512xf32, #tpu.memory_space<vmem>>)
      tpu.yield
    }) : () -> ()
    %broadcast_in_dim3A = arith.constant 0xFF800000 : f32
    %broadcast_in_dim3A_3 = vector.broadcast %broadcast_in_dim3A : f32 to vector<16xf32>
    %broadcast_in_dim3A_4 = arith.constant 0 : i32
    %broadcast_in_dim3A_5 = vector.broadcast %broadcast_in_dim3A_4 : i32 to vector<16xi32>
    %broadcast_in_dim3A_6 = arith.constant 0.000000e+00 : f32
    %broadcast_in_dim3A_7 = vector.broadcast %broadcast_in_dim3A_6 : f32 to vector<16xf32>
    %scan3A = arith.constant 0 : i32
    %scan3A_8 = arith.constant 32 : i32
    %scan3A_9 = arith.addi %scan3A, %scan3A_8 : i32
    %scan3A_10 = arith.constant 1 : i32
    %scan3A_11:16 = scf.for %scan3A_112 = %scan3A to %scan3A_9 step %scan3A_10 iter_args(%scan3A_113 = %broadcast_in_dim3A_7, %scan3A_114 = %broadcast_in_dim3A_7, %scan3A_115 = %broadcast_in_dim3A_7, %scan3A_116 = %broadcast_in_dim3A_7, %scan3A_117 = %broadcast_in_dim3A_7, %scan3A_118 = %broadcast_in_dim3A_7, %scan3A_119 = %broadcast_in_dim3A_7, %scan3A_120 = %broadcast_in_dim3A_7, %scan3A_121 = %broadcast_in_dim3A_7, %scan3A_122 = %broadcast_in_dim3A_7, %scan3A_123 = %broadcast_in_dim3A_7, %scan3A_124 = %broadcast_in_dim3A_7, %scan3A_125 = %broadcast_in_dim3A_7, %scan3A_126 = %broadcast_in_dim3A_7, %scan3A_127 = %broadcast_in_dim3A_7, %scan3A_128 = %broadcast_in_dim3A_7) -> (vector<16xf32>, vector<16xf32>, vector<16xf32>, vector<16xf32>, vector<16xf32>, vector<16xf32>, vector<16xf32>, vector<16xf32>, vector<16xf32>, vector<16xf32>, vector<16xf32>, vector<16xf32>, vector<16xf32>, vector<16xf32>, vector<16xf32>, vector<16xf32>)  : i32 {
      %mul3A_129 = arith.constant 16 : i32
      %mul3A_130 = arith.muli %scan3A_112, %mul3A_129 : i32
      %get3A = arith.constant 0 : i32
      %get3A_131 = arith.index_cast %get3A : i32 to index
      %get3A_132 = arith.index_cast %mul3A_130 : i32 to index
      %get3A_133 = tpu.vector_load %arg6[%get3A_131, %get3A_132] {strides = array<i32>} : memref<16x512xf32, #tpu.memory_space<vmem>>, vector<1x16xf32>,
      %get3A_134 = vector.shape_cast %get3A_133 : vector<1x16xf32> to vector<16xf32>
      %broadcast_in_dim3A_135 = arith.constant 0 : i32
      %broadcast_in_dim3A_136 = vector.broadcast %broadcast_in_dim3A_135 : i32 to vector<16xi32>
      %gt3A = arith.cmpf ogt, %get3A_134, %broadcast_in_dim3A_3 : vector<16xf32>
      %gt3A_137 = arith.cmpf ogt, %get3A_134, %broadcast_in_dim3A_3 : vector<16xf32>
      %select_n3A = arith.select %gt3A_137, %get3A_134, %broadcast_in_dim3A_3 : vector<16xi1>, vector<16xf32>
      %select_n3A_138 = arith.select %gt3A, %broadcast_in_dim3A_3, %select_n3A : vector<16xi1>, vector<16xf32>
      %select_n3A_139 = arith.select %gt3A_137, %broadcast_in_dim3A_136, %broadcast_in_dim3A_5 : vector<16xi1>, vector<16xi32>
      %select_n3A_140 = arith.select %gt3A, %broadcast_in_dim3A_5, %select_n3A_139 : vector<16xi1>, vector<16xi32>
      %select_n3A_141 = arith.select %gt3A, %get3A_134, %broadcast_in_dim3A_3 : vector<16xi1>, vector<16xf32>
      %select_n3A_142 = arith.select %gt3A, %broadcast_in_dim3A_136, %broadcast_in_dim3A_5 : vector<16xi1>, vector<16xi32>
      %mul3A_143 = arith.constant 16 : i32
      %mul3A_144 = arith.muli %scan3A_112, %mul3A_143 : i32
      %get3A_145 = arith.constant 1 : i32
      %get3A_146 = arith.index_cast %get3A_145 : i32 to index
      %get3A_147 = arith.index_cast %mul3A_144 : i32 to index
      %get3A_148 = tpu.vector_load %arg6[%get3A_146, %get3A_147] {strides = array<i32>} : memref<16x512xf32, #tpu.memory_space<vmem>>, vector<1x16xf32>,
      %get3A_149 = vector.shape_cast %get3A_148 : vector<1x16xf32> to vector<16xf32>
      %broadcast_in_dim3A_150 = arith.constant 1 : i32
      %broadcast_in_dim3A_151 = vector.broadcast %broadcast_in_dim3A_150 : i32 to vector<16xi32>
      %gt3A_152 = arith.cmpf ogt, %get3A_149, %select_n3A_141 : vector<16xf32>
      %gt3A_153 = arith.cmpf ogt, %get3A_149, %select_n3A_138 : vector<16xf32>
      %select_n3A_154 = arith.select %gt3A_153, %get3A_149, %select_n3A_138 : vector<16xi1>, vector<16xf32>
      %select_n3A_155 = arith.select %gt3A_152, %select_n3A_141, %select_n3A_154 : vector<16xi1>, vector<16xf32>
      %select_n3A_156 = arith.select %gt3A_153, %broadcast_in_dim3A_151, %select_n3A_140 : vector<16xi1>, vector<16xi32>
      %select_n3A_157 = arith.select %gt3A_152, %select_n3A_142, %select_n3A_156 : vector<16xi1>, vector<16xi32>
      %select_n3A_158 = arith.select %gt3A_152, %get3A_149, %select_n3A_141 : vector<16xi1>, vector<16xf32>
      %select_n3A_159 = arith.select %gt3A_152, %broadcast_in_dim3A_151, %select_n3A_142 : vector<16xi1>, vector<16xi32>
      %mul3A_160 = arith.constant 16 : i32
      %mul3A_161 = arith.muli %scan3A_112, %mul3A_160 : i32
      %get3A_162 = arith.constant 2 : i32
      %get3A_163 = arith.index_cast %get3A_162 : i32 to index
      %get3A_164 = arith.index_cast %mul3A_161 : i32 to index
      %get3A_165 = tpu.vector_load %arg6[%get3A_163, %get3A_164] {strides = array<i32>} : memref<16x512xf32, #tpu.memory_space<vmem>>, vector<1x16xf32>,
      %get3A_166 = vector.shape_cast %get3A_165 : vector<1x16xf32> to vector<16xf32>
      %broadcast_in_dim3A_167 = arith.constant 2 : i32
      %broadcast_in_dim3A_168 = vector.broadcast %broadcast_in_dim3A_167 : i32 to vector<16xi32>
      %gt3A_169 = arith.cmpf ogt, %get3A_166, %select_n3A_158 : vector<16xf32>
      %gt3A_170 = arith.cmpf ogt, %get3A_166, %select_n3A_155 : vector<16xf32>
      %select_n3A_171 = arith.select %gt3A_170, %get3A_166, %select_n3A_155 : vector<16xi1>, vector<16xf32>
      %select_n3A_172 = arith.select %gt3A_169, %select_n3A_158, %select_n3A_171 : vector<16xi1>, vector<16xf32>
      %select_n3A_173 = arith.select %gt3A_170, %broadcast_in_dim3A_168, %select_n3A_157 : vector<16xi1>, vector<16xi32>
      %select_n3A_174 = arith.select %gt3A_169, %select_n3A_159, %select_n3A_173 : vector<16xi1>, vector<16xi32>
      %select_n3A_175 = arith.select %gt3A_169, %get3A_166, %select_n3A_158 : vector<16xi1>, vector<16xf32>
      %select_n3A_176 = arith.select %gt3A_169, %broadcast_in_dim3A_168, %select_n3A_159 : vector<16xi1>, vector<16xi32>
      %mul3A_177 = arith.constant 16 : i32
      %mul3A_178 = arith.muli %scan3A_112, %mul3A_177 : i32
      %get3A_179 = arith.constant 3 : i32
      %get3A_180 = arith.index_cast %get3A_179 : i32 to index
      %get3A_181 = arith.index_cast %mul3A_178 : i32 to index
      %get3A_182 = tpu.vector_load %arg6[%get3A_180, %get3A_181] {strides = array<i32>} : memref<16x512xf32, #tpu.memory_space<vmem>>, vector<1x16xf32>,
      %get3A_183 = vector.shape_cast %get3A_182 : vector<1x16xf32> to vector<16xf32>
      %broadcast_in_dim3A_184 = arith.constant 3 : i32
      %broadcast_in_dim3A_185 = vector.broadcast %broadcast_in_dim3A_184 : i32 to vector<16xi32>
      %gt3A_186 = arith.cmpf ogt, %get3A_183, %select_n3A_175 : vector<16xf32>
      %gt3A_187 = arith.cmpf ogt, %get3A_183, %select_n3A_172 : vector<16xf32>
      %select_n3A_188 = arith.select %gt3A_187, %get3A_183, %select_n3A_172 : vector<16xi1>, vector<16xf32>
      %select_n3A_189 = arith.select %gt3A_186, %select_n3A_175, %select_n3A_188 : vector<16xi1>, vector<16xf32>
      %select_n3A_190 = arith.select %gt3A_187, %broadcast_in_dim3A_185, %select_n3A_174 : vector<16xi1>, vector<16xi32>
      %select_n3A_191 = arith.select %gt3A_186, %select_n3A_176, %select_n3A_190 : vector<16xi1>, vector<16xi32>
      %select_n3A_192 = arith.select %gt3A_186, %get3A_183, %select_n3A_175 : vector<16xi1>, vector<16xf32>
      %select_n3A_193 = arith.select %gt3A_186, %broadcast_in_dim3A_185, %select_n3A_176 : vector<16xi1>, vector<16xi32>
      %mul3A_194 = arith.constant 16 : i32
      %mul3A_195 = arith.muli %scan3A_112, %mul3A_194 : i32
      %get3A_196 = arith.constant 4 : i32
      %get3A_197 = arith.index_cast %get3A_196 : i32 to index
      %get3A_198 = arith.index_cast %mul3A_195 : i32 to index
      %get3A_199 = tpu.vector_load %arg6[%get3A_197, %get3A_198] {strides = array<i32>} : memref<16x512xf32, #tpu.memory_space<vmem>>, vector<1x16xf32>,
      %get3A_200 = vector.shape_cast %get3A_199 : vector<1x16xf32> to vector<16xf32>
      %broadcast_in_dim3A_201 = arith.constant 4 : i32
      %broadcast_in_dim3A_202 = vector.broadcast %broadcast_in_dim3A_201 : i32 to vector<16xi32>
      %gt3A_203 = arith.cmpf ogt, %get3A_200, %select_n3A_192 : vector<16xf32>
      %gt3A_204 = arith.cmpf ogt, %get3A_200, %select_n3A_189 : vector<16xf32>
      %select_n3A_205 = arith.select %gt3A_204, %get3A_200, %select_n3A_189 : vector<16xi1>, vector<16xf32>
      %select_n3A_206 = arith.select %gt3A_203, %select_n3A_192, %select_n3A_205 : vector<16xi1>, vector<16xf32>
      %select_n3A_207 = arith.select %gt3A_204, %broadcast_in_dim3A_202, %select_n3A_191 : vector<16xi1>, vector<16xi32>
      %select_n3A_208 = arith.select %gt3A_203, %select_n3A_193, %select_n3A_207 : vector<16xi1>, vector<16xi32>
      %select_n3A_209 = arith.select %gt3A_203, %get3A_200, %select_n3A_192 : vector<16xi1>, vector<16xf32>
      %select_n3A_210 = arith.select %gt3A_203, %broadcast_in_dim3A_202, %select_n3A_193 : vector<16xi1>, vector<16xi32>
      %mul3A_211 = arith.constant 16 : i32
      %mul3A_212 = arith.muli %scan3A_112, %mul3A_211 : i32
      %get3A_213 = arith.constant 5 : i32
      %get3A_214 = arith.index_cast %get3A_213 : i32 to index
      %get3A_215 = arith.index_cast %mul3A_212 : i32 to index
      %get3A_216 = tpu.vector_load %arg6[%get3A_214, %get3A_215] {strides = array<i32>} : memref<16x512xf32, #tpu.memory_space<vmem>>, vector<1x16xf32>,
      %get3A_217 = vector.shape_cast %get3A_216 : vector<1x16xf32> to vector<16xf32>
      %broadcast_in_dim3A_218 = arith.constant 5 : i32
      %broadcast_in_dim3A_219 = vector.broadcast %broadcast_in_dim3A_218 : i32 to vector<16xi32>
      %gt3A_220 = arith.cmpf ogt, %get3A_217, %select_n3A_209 : vector<16xf32>
      %gt3A_221 = arith.cmpf ogt, %get3A_217, %select_n3A_206 : vector<16xf32>
      %select_n3A_222 = arith.select %gt3A_221, %get3A_217, %select_n3A_206 : vector<16xi1>, vector<16xf32>
      %select_n3A_223 = arith.select %gt3A_220, %select_n3A_209, %select_n3A_222 : vector<16xi1>, vector<16xf32>
      %select_n3A_224 = arith.select %gt3A_221, %broadcast_in_dim3A_219, %select_n3A_208 : vector<16xi1>, vector<16xi32>
      %select_n3A_225 = arith.select %gt3A_220, %select_n3A_210, %select_n3A_224 : vector<16xi1>, vector<16xi32>
      %select_n3A_226 = arith.select %gt3A_220, %get3A_217, %select_n3A_209 : vector<16xi1>, vector<16xf32>
      %select_n3A_227 = arith.select %gt3A_220, %broadcast_in_dim3A_219, %select_n3A_210 : vector<16xi1>, vector<16xi32>
      %mul3A_228 = arith.constant 16 : i32
      %mul3A_229 = arith.muli %scan3A_112, %mul3A_228 : i32
      %get3A_230 = arith.constant 6 : i32
      %get3A_231 = arith.index_cast %get3A_230 : i32 to index
      %get3A_232 = arith.index_cast %mul3A_229 : i32 to index
      %get3A_233 = tpu.vector_load %arg6[%get3A_231, %get3A_232] {strides = array<i32>} : memref<16x512xf32, #tpu.memory_space<vmem>>, vector<1x16xf32>,
      %get3A_234 = vector.shape_cast %get3A_233 : vector<1x16xf32> to vector<16xf32>
      %broadcast_in_dim3A_235 = arith.constant 6 : i32
      %broadcast_in_dim3A_236 = vector.broadcast %broadcast_in_dim3A_235 : i32 to vector<16xi32>
      %gt3A_237 = arith.cmpf ogt, %get3A_234, %select_n3A_226 : vector<16xf32>
      %gt3A_238 = arith.cmpf ogt, %get3A_234, %select_n3A_223 : vector<16xf32>
      %select_n3A_239 = arith.select %gt3A_238, %get3A_234, %select_n3A_223 : vector<16xi1>, vector<16xf32>
      %select_n3A_240 = arith.select %gt3A_237, %select_n3A_226, %select_n3A_239 : vector<16xi1>, vector<16xf32>
      %select_n3A_241 = arith.select %gt3A_238, %broadcast_in_dim3A_236, %select_n3A_225 : vector<16xi1>, vector<16xi32>
      %select_n3A_242 = arith.select %gt3A_237, %select_n3A_227, %select_n3A_241 : vector<16xi1>, vector<16xi32>
      %select_n3A_243 = arith.select %gt3A_237, %get3A_234, %select_n3A_226 : vector<16xi1>, vector<16xf32>
      %select_n3A_244 = arith.select %gt3A_237, %broadcast_in_dim3A_236, %select_n3A_227 : vector<16xi1>, vector<16xi32>
      %mul3A_245 = arith.constant 16 : i32
      %mul3A_246 = arith.muli %scan3A_112, %mul3A_245 : i32
      %get3A_247 = arith.constant 7 : i32
      %get3A_248 = arith.index_cast %get3A_247 : i32 to index
      %get3A_249 = arith.index_cast %mul3A_246 : i32 to index
      %get3A_250 = tpu.vector_load %arg6[%get3A_248, %get3A_249] {strides = array<i32>} : memref<16x512xf32, #tpu.memory_space<vmem>>, vector<1x16xf32>,
      %get3A_251 = vector.shape_cast %get3A_250 : vector<1x16xf32> to vector<16xf32>
      %broadcast_in_dim3A_252 = arith.constant 7 : i32
      %broadcast_in_dim3A_253 = vector.broadcast %broadcast_in_dim3A_252 : i32 to vector<16xi32>
      %gt3A_254 = arith.cmpf ogt, %get3A_251, %select_n3A_243 : vector<16xf32>
      %gt3A_255 = arith.cmpf ogt, %get3A_251, %select_n3A_240 : vector<16xf32>
      %select_n3A_256 = arith.select %gt3A_255, %get3A_251, %select_n3A_240 : vector<16xi1>, vector<16xf32>
      %select_n3A_257 = arith.select %gt3A_254, %select_n3A_243, %select_n3A_256 : vector<16xi1>, vector<16xf32>
      %select_n3A_258 = arith.select %gt3A_255, %broadcast_in_dim3A_253, %select_n3A_242 : vector<16xi1>, vector<16xi32>
      %select_n3A_259 = arith.select %gt3A_254, %select_n3A_244, %select_n3A_258 : vector<16xi1>, vector<16xi32>
      %select_n3A_260 = arith.select %gt3A_254, %get3A_251, %select_n3A_243 : vector<16xi1>, vector<16xf32>
      %select_n3A_261 = arith.select %gt3A_254, %broadcast_in_dim3A_253, %select_n3A_244 : vector<16xi1>, vector<16xi32>
      %mul3A_262 = arith.constant 16 : i32
      %mul3A_263 = arith.muli %scan3A_112, %mul3A_262 : i32
      %get3A_264 = arith.constant 8 : i32
      %get3A_265 = arith.index_cast %get3A_264 : i32 to index
      %get3A_266 = arith.index_cast %mul3A_263 : i32 to index
      %get3A_267 = tpu.vector_load %arg6[%get3A_265, %get3A_266] {strides = array<i32>} : memref<16x512xf32, #tpu.memory_space<vmem>>, vector<1x16xf32>,
      %get3A_268 = vector.shape_cast %get3A_267 : vector<1x16xf32> to vector<16xf32>
      %broadcast_in_dim3A_269 = arith.constant 8 : i32
      %broadcast_in_dim3A_270 = vector.broadcast %broadcast_in_dim3A_269 : i32 to vector<16xi32>
      %gt3A_271 = arith.cmpf ogt, %get3A_268, %select_n3A_260 : vector<16xf32>
      %gt3A_272 = arith.cmpf ogt, %get3A_268, %select_n3A_257 : vector<16xf32>
      %select_n3A_273 = arith.select %gt3A_272, %get3A_268, %select_n3A_257 : vector<16xi1>, vector<16xf32>
      %select_n3A_274 = arith.select %gt3A_271, %select_n3A_260, %select_n3A_273 : vector<16xi1>, vector<16xf32>
      %select_n3A_275 = arith.select %gt3A_272, %broadcast_in_dim3A_270, %select_n3A_259 : vector<16xi1>, vector<16xi32>
      %select_n3A_276 = arith.select %gt3A_271, %select_n3A_261, %select_n3A_275 : vector<16xi1>, vector<16xi32>
      %select_n3A_277 = arith.select %gt3A_271, %get3A_268, %select_n3A_260 : vector<16xi1>, vector<16xf32>
      %select_n3A_278 = arith.select %gt3A_271, %broadcast_in_dim3A_270, %select_n3A_261 : vector<16xi1>, vector<16xi32>
      %mul3A_279 = arith.constant 16 : i32
      %mul3A_280 = arith.muli %scan3A_112, %mul3A_279 : i32
      %get3A_281 = arith.constant 9 : i32
      %get3A_282 = arith.index_cast %get3A_281 : i32 to index
      %get3A_283 = arith.index_cast %mul3A_280 : i32 to index
      %get3A_284 = tpu.vector_load %arg6[%get3A_282, %get3A_283] {strides = array<i32>} : memref<16x512xf32, #tpu.memory_space<vmem>>, vector<1x16xf32>,
      %get3A_285 = vector.shape_cast %get3A_284 : vector<1x16xf32> to vector<16xf32>
      %broadcast_in_dim3A_286 = arith.constant 9 : i32
      %broadcast_in_dim3A_287 = vector.broadcast %broadcast_in_dim3A_286 : i32 to vector<16xi32>
      %gt3A_288 = arith.cmpf ogt, %get3A_285, %select_n3A_277 : vector<16xf32>
      %gt3A_289 = arith.cmpf ogt, %get3A_285, %select_n3A_274 : vector<16xf32>
      %select_n3A_290 = arith.select %gt3A_289, %get3A_285, %select_n3A_274 : vector<16xi1>, vector<16xf32>
      %select_n3A_291 = arith.select %gt3A_288, %select_n3A_277, %select_n3A_290 : vector<16xi1>, vector<16xf32>
      %select_n3A_292 = arith.select %gt3A_289, %broadcast_in_dim3A_287, %select_n3A_276 : vector<16xi1>, vector<16xi32>
      %select_n3A_293 = arith.select %gt3A_288, %select_n3A_278, %select_n3A_292 : vector<16xi1>, vector<16xi32>
      %select_n3A_294 = arith.select %gt3A_288, %get3A_285, %select_n3A_277 : vector<16xi1>, vector<16xf32>
      %select_n3A_295 = arith.select %gt3A_288, %broadcast_in_dim3A_287, %select_n3A_278 : vector<16xi1>, vector<16xi32>
      %mul3A_296 = arith.constant 16 : i32
      %mul3A_297 = arith.muli %scan3A_112, %mul3A_296 : i32
      %get3A_298 = arith.constant 10 : i32
      %get3A_299 = arith.index_cast %get3A_298 : i32 to index
      %get3A_300 = arith.index_cast %mul3A_297 : i32 to index
      %get3A_301 = tpu.vector_load %arg6[%get3A_299, %get3A_300] {strides = array<i32>} : memref<16x512xf32, #tpu.memory_space<vmem>>, vector<1x16xf32>,
      %get3A_302 = vector.shape_cast %get3A_301 : vector<1x16xf32> to vector<16xf32>
      %broadcast_in_dim3A_303 = arith.constant 10 : i32
      %broadcast_in_dim3A_304 = vector.broadcast %broadcast_in_dim3A_303 : i32 to vector<16xi32>
      %gt3A_305 = arith.cmpf ogt, %get3A_302, %select_n3A_294 : vector<16xf32>
      %gt3A_306 = arith.cmpf ogt, %get3A_302, %select_n3A_291 : vector<16xf32>
      %select_n3A_307 = arith.select %gt3A_306, %get3A_302, %select_n3A_291 : vector<16xi1>, vector<16xf32>
      %select_n3A_308 = arith.select %gt3A_305, %select_n3A_294, %select_n3A_307 : vector<16xi1>, vector<16xf32>
      %select_n3A_309 = arith.select %gt3A_306, %broadcast_in_dim3A_304, %select_n3A_293 : vector<16xi1>, vector<16xi32>
      %select_n3A_310 = arith.select %gt3A_305, %select_n3A_295, %select_n3A_309 : vector<16xi1>, vector<16xi32>
      %select_n3A_311 = arith.select %gt3A_305, %get3A_302, %select_n3A_294 : vector<16xi1>, vector<16xf32>
      %select_n3A_312 = arith.select %gt3A_305, %broadcast_in_dim3A_304, %select_n3A_295 : vector<16xi1>, vector<16xi32>
      %mul3A_313 = arith.constant 16 : i32
      %mul3A_314 = arith.muli %scan3A_112, %mul3A_313 : i32
      %get3A_315 = arith.constant 11 : i32
      %get3A_316 = arith.index_cast %get3A_315 : i32 to index
      %get3A_317 = arith.index_cast %mul3A_314 : i32 to index
      %get3A_318 = tpu.vector_load %arg6[%get3A_316, %get3A_317] {strides = array<i32>} : memref<16x512xf32, #tpu.memory_space<vmem>>, vector<1x16xf32>,
      %get3A_319 = vector.shape_cast %get3A_318 : vector<1x16xf32> to vector<16xf32>
      %broadcast_in_dim3A_320 = arith.constant 11 : i32
      %broadcast_in_dim3A_321 = vector.broadcast %broadcast_in_dim3A_320 : i32 to vector<16xi32>
      %gt3A_322 = arith.cmpf ogt, %get3A_319, %select_n3A_311 : vector<16xf32>
      %gt3A_323 = arith.cmpf ogt, %get3A_319, %select_n3A_308 : vector<16xf32>
      %select_n3A_324 = arith.select %gt3A_323, %get3A_319, %select_n3A_308 : vector<16xi1>, vector<16xf32>
      %select_n3A_325 = arith.select %gt3A_322, %select_n3A_311, %select_n3A_324 : vector<16xi1>, vector<16xf32>
      %select_n3A_326 = arith.select %gt3A_323, %broadcast_in_dim3A_321, %select_n3A_310 : vector<16xi1>, vector<16xi32>
      %select_n3A_327 = arith.select %gt3A_322, %select_n3A_312, %select_n3A_326 : vector<16xi1>, vector<16xi32>
      %select_n3A_328 = arith.select %gt3A_322, %get3A_319, %select_n3A_311 : vector<16xi1>, vector<16xf32>
      %select_n3A_329 = arith.select %gt3A_322, %broadcast_in_dim3A_321, %select_n3A_312 : vector<16xi1>, vector<16xi32>
      %mul3A_330 = arith.constant 16 : i32
      %mul3A_331 = arith.muli %scan3A_112, %mul3A_330 : i32
      %get3A_332 = arith.constant 12 : i32
      %get3A_333 = arith.index_cast %get3A_332 : i32 to index
      %get3A_334 = arith.index_cast %mul3A_331 : i32 to index
      %get3A_335 = tpu.vector_load %arg6[%get3A_333, %get3A_334] {strides = array<i32>} : memref<16x512xf32, #tpu.memory_space<vmem>>, vector<1x16xf32>,
      %get3A_336 = vector.shape_cast %get3A_335 : vector<1x16xf32> to vector<16xf32>
      %broadcast_in_dim3A_337 = arith.constant 12 : i32
      %broadcast_in_dim3A_338 = vector.broadcast %broadcast_in_dim3A_337 : i32 to vector<16xi32>
      %gt3A_339 = arith.cmpf ogt, %get3A_336, %select_n3A_328 : vector<16xf32>
      %gt3A_340 = arith.cmpf ogt, %get3A_336, %select_n3A_325 : vector<16xf32>
      %select_n3A_341 = arith.select %gt3A_340, %get3A_336, %select_n3A_325 : vector<16xi1>, vector<16xf32>
      %select_n3A_342 = arith.select %gt3A_339, %select_n3A_328, %select_n3A_341 : vector<16xi1>, vector<16xf32>
      %select_n3A_343 = arith.select %gt3A_340, %broadcast_in_dim3A_338, %select_n3A_327 : vector<16xi1>, vector<16xi32>
      %select_n3A_344 = arith.select %gt3A_339, %select_n3A_329, %select_n3A_343 : vector<16xi1>, vector<16xi32>
      %select_n3A_345 = arith.select %gt3A_339, %get3A_336, %select_n3A_328 : vector<16xi1>, vector<16xf32>
      %select_n3A_346 = arith.select %gt3A_339, %broadcast_in_dim3A_338, %select_n3A_329 : vector<16xi1>, vector<16xi32>
      %mul3A_347 = arith.constant 16 : i32
      %mul3A_348 = arith.muli %scan3A_112, %mul3A_347 : i32
      %get3A_349 = arith.constant 13 : i32
      %get3A_350 = arith.index_cast %get3A_349 : i32 to index
      %get3A_351 = arith.index_cast %mul3A_348 : i32 to index
      %get3A_352 = tpu.vector_load %arg6[%get3A_350, %get3A_351] {strides = array<i32>} : memref<16x512xf32, #tpu.memory_space<vmem>>, vector<1x16xf32>,
      %get3A_353 = vector.shape_cast %get3A_352 : vector<1x16xf32> to vector<16xf32>
      %broadcast_in_dim3A_354 = arith.constant 13 : i32
      %broadcast_in_dim3A_355 = vector.broadcast %broadcast_in_dim3A_354 : i32 to vector<16xi32>
      %gt3A_356 = arith.cmpf ogt, %get3A_353, %select_n3A_345 : vector<16xf32>
      %gt3A_357 = arith.cmpf ogt, %get3A_353, %select_n3A_342 : vector<16xf32>
      %select_n3A_358 = arith.select %gt3A_357, %get3A_353, %select_n3A_342 : vector<16xi1>, vector<16xf32>
      %select_n3A_359 = arith.select %gt3A_356, %select_n3A_345, %select_n3A_358 : vector<16xi1>, vector<16xf32>
      %select_n3A_360 = arith.select %gt3A_357, %broadcast_in_dim3A_355, %select_n3A_344 : vector<16xi1>, vector<16xi32>
      %select_n3A_361 = arith.select %gt3A_356, %select_n3A_346, %select_n3A_360 : vector<16xi1>, vector<16xi32>
      %select_n3A_362 = arith.select %gt3A_356, %get3A_353, %select_n3A_345 : vector<16xi1>, vector<16xf32>
      %select_n3A_363 = arith.select %gt3A_356, %broadcast_in_dim3A_355, %select_n3A_346 : vector<16xi1>, vector<16xi32>
      %mul3A_364 = arith.constant 16 : i32
      %mul3A_365 = arith.muli %scan3A_112, %mul3A_364 : i32
      %get3A_366 = arith.constant 14 : i32
      %get3A_367 = arith.index_cast %get3A_366 : i32 to index
      %get3A_368 = arith.index_cast %mul3A_365 : i32 to index
      %get3A_369 = tpu.vector_load %arg6[%get3A_367, %get3A_368] {strides = array<i32>} : memref<16x512xf32, #tpu.memory_space<vmem>>, vector<1x16xf32>,
      %get3A_370 = vector.shape_cast %get3A_369 : vector<1x16xf32> to vector<16xf32>
      %broadcast_in_dim3A_371 = arith.constant 14 : i32
      %broadcast_in_dim3A_372 = vector.broadcast %broadcast_in_dim3A_371 : i32 to vector<16xi32>
      %gt3A_373 = arith.cmpf ogt, %get3A_370, %select_n3A_362 : vector<16xf32>
      %gt3A_374 = arith.cmpf ogt, %get3A_370, %select_n3A_359 : vector<16xf32>
      %select_n3A_375 = arith.select %gt3A_374, %get3A_370, %select_n3A_359 : vector<16xi1>, vector<16xf32>
      %select_n3A_376 = arith.select %gt3A_373, %select_n3A_362, %select_n3A_375 : vector<16xi1>, vector<16xf32>
      %select_n3A_377 = arith.select %gt3A_374, %broadcast_in_dim3A_372, %select_n3A_361 : vector<16xi1>, vector<16xi32>
      %select_n3A_378 = arith.select %gt3A_373, %select_n3A_363, %select_n3A_377 : vector<16xi1>, vector<16xi32>
      %select_n3A_379 = arith.select %gt3A_373, %get3A_370, %select_n3A_362 : vector<16xi1>, vector<16xf32>
      %select_n3A_380 = arith.select %gt3A_373, %broadcast_in_dim3A_372, %select_n3A_363 : vector<16xi1>, vector<16xi32>
      %mul3A_381 = arith.constant 16 : i32
      %mul3A_382 = arith.muli %scan3A_112, %mul3A_381 : i32
      %get3A_383 = arith.constant 15 : i32
      %get3A_384 = arith.index_cast %get3A_383 : i32 to index
      %get3A_385 = arith.index_cast %mul3A_382 : i32 to index
      %get3A_386 = tpu.vector_load %arg6[%get3A_384, %get3A_385] {strides = array<i32>} : memref<16x512xf32, #tpu.memory_space<vmem>>, vector<1x16xf32>,
      %get3A_387 = vector.shape_cast %get3A_386 : vector<1x16xf32> to vector<16xf32>
      %broadcast_in_dim3A_388 = arith.constant 15 : i32
      %broadcast_in_dim3A_389 = vector.broadcast %broadcast_in_dim3A_388 : i32 to vector<16xi32>
      %gt3A_390 = arith.cmpf ogt, %get3A_387, %select_n3A_379 : vector<16xf32>
      %gt3A_391 = arith.cmpf ogt, %get3A_387, %select_n3A_376 : vector<16xf32>
      %select_n3A_392 = arith.select %gt3A_391, %get3A_387, %select_n3A_376 : vector<16xi1>, vector<16xf32>
      %select_n3A_393 = arith.select %gt3A_390, %select_n3A_379, %select_n3A_392 : vector<16xi1>, vector<16xf32>
      %select_n3A_394 = arith.select %gt3A_391, %broadcast_in_dim3A_389, %select_n3A_378 : vector<16xi1>, vector<16xi32>
      %select_n3A_395 = arith.select %gt3A_390, %select_n3A_380, %select_n3A_394 : vector<16xi1>, vector<16xi32>
      %select_n3A_396 = arith.select %gt3A_390, %get3A_387, %select_n3A_379 : vector<16xi1>, vector<16xf32>
      %select_n3A_397 = arith.select %gt3A_390, %broadcast_in_dim3A_389, %select_n3A_380 : vector<16xi1>, vector<16xi32>
      %sub3A = arith.subf %select_n3A_393, %select_n3A_396 : vector<16xf32>
      %exp3A = math.exp %sub3A : vector<16xf32>
      %add3A_398 = arith.constant 1.000000e+00 : f32
      %add3A_399 = vector.broadcast %add3A_398 : f32 to vector<16xf32>
      %add3A_400 = arith.addf %add3A_399, %exp3A : vector<16xf32>
      %div3A = arith.constant 1.000000e+00 : f32
      %div3A_401 = vector.broadcast %div3A : f32 to vector<16xf32>
      %div3A_402 = arith.divf %div3A_401, %add3A_400 : vector<16xf32>
      %div3A_403 = arith.divf %exp3A, %add3A_400 : vector<16xf32>
      %mul3A_404 = arith.constant 16 : i32
      %mul3A_405 = arith.muli %scan3A_112, %mul3A_404 : i32
      %swap3A_406 = arith.index_cast %mul3A_405 : i32 to index
      %swap3A_407 = tpu.vector_load %arg7[%swap3A_406] {strides = array<i32>} : memref<512xf32, #tpu.memory_space<vmem>>, vector<16xf32>,
      %swap3A_408 = vector.shape_cast %swap3A_407 : vector<16xf32> to vector<16xf32>
      %swap3A_409 = vector.shape_cast %div3A_402 : vector<16xf32> to vector<16xf32>
      tpu.vector_store %arg7[%swap3A_406], %swap3A_409 {strides = array<i32>} : memref<512xf32, #tpu.memory_space<vmem>>, vector<16xf32>,
      %swap3A_410 = arith.index_cast %mul3A_405 : i32 to index
      %swap3A_411 = tpu.vector_load %arg8[%swap3A_410] {strides = array<i32>} : memref<512xf32, #tpu.memory_space<vmem>>, vector<16xf32>,
      %swap3A_412 = vector.shape_cast %swap3A_411 : vector<16xf32> to vector<16xf32>
      %swap3A_413 = vector.shape_cast %div3A_403 : vector<16xf32> to vector<16xf32>
      tpu.vector_store %arg8[%swap3A_410], %swap3A_413 {strides = array<i32>} : memref<512xf32, #tpu.memory_space<vmem>>, vector<16xf32>,
      %swap3A_414 = arith.index_cast %mul3A_405 : i32 to index
      %swap3A_415 = tpu.vector_load %arg9[%swap3A_414] {strides = array<i32>} : memref<512xi32, #tpu.memory_space<vmem>>, vector<16xi32>,
      %swap3A_416 = vector.shape_cast %swap3A_415 : vector<16xi32> to vector<16xi32>
      %swap3A_417 = vector.shape_cast %select_n3A_397 : vector<16xi32> to vector<16xi32>
      tpu.vector_store %arg9[%swap3A_414], %swap3A_417 {strides = array<i32>} : memref<512xi32, #tpu.memory_space<vmem>>, vector<16xi32>,
      %swap3A_418 = arith.index_cast %mul3A_405 : i32 to index
      %swap3A_419 = tpu.vector_load %arg10[%swap3A_418] {strides = array<i32>} : memref<512xi32, #tpu.memory_space<vmem>>, vector<16xi32>,
      %swap3A_420 = vector.shape_cast %swap3A_419 : vector<16xi32> to vector<16xi32>
      %swap3A_421 = vector.shape_cast %select_n3A_395 : vector<16xi32> to vector<16xi32>
      tpu.vector_store %arg10[%swap3A_418], %swap3A_421 {strides = array<i32>} : memref<512xi32, #tpu.memory_space<vmem>>, vector<16xi32>,
      %eq3A = arith.constant 0 : i32
      %eq3A_422 = vector.broadcast %eq3A : i32 to vector<16xi32>
      %eq3A_423 = arith.cmpi eq, %select_n3A_397, %eq3A_422 : vector<16xi32>
      %jit3A = arith.constant 1.000000e+00 : f32
      %jit3A_424 = arith.constant 0.000000e+00 : f32
      %broadcast_in_dim3A_425 = vector.broadcast %jit3A : f32 to vector<16xf32>
      %broadcast_in_dim3A_426 = vector.broadcast %jit3A_424 : f32 to vector<16xf32>
      %select_n3A_427 = arith.select %eq3A_423, %broadcast_in_dim3A_425, %broadcast_in_dim3A_426 : vector<16xi1>, vector<16xf32>
      %add3A_428 = arith.addf %scan3A_113, %select_n3A_427 : vector<16xf32>
      %eq3A_429 = arith.constant 0 : i32
      %eq3A_430 = vector.broadcast %eq3A_429 : i32 to vector<16xi32>
      %eq3A_431 = arith.cmpi eq, %select_n3A_395, %eq3A_430 : vector<16xi32>
      %jit3A_432 = arith.constant 1.000000e+00 : f32
      %jit3A_433 = arith.constant 0.000000e+00 : f32
      %broadcast_in_dim3A_434 = vector.broadcast %jit3A_432 : f32 to vector<16xf32>
      %broadcast_in_dim3A_435 = vector.broadcast %jit3A_433 : f32 to vector<16xf32>
      %select_n3A_436 = arith.select %eq3A_431, %broadcast_in_dim3A_434, %broadcast_in_dim3A_435 : vector<16xi1>, vector<16xf32>
      %add3A_437 = arith.addf %add3A_428, %select_n3A_436 : vector<16xf32>
      %eq3A_438 = arith.constant 1 : i32
      %eq3A_439 = vector.broadcast %eq3A_438 : i32 to vector<16xi32>
      %eq3A_440 = arith.cmpi eq, %select_n3A_397, %eq3A_439 : vector<16xi32>
      %jit3A_441 = arith.constant 1.000000e+00 : f32
      %jit3A_442 = arith.constant 0.000000e+00 : f32
      %broadcast_in_dim3A_443 = vector.broadcast %jit3A_441 : f32 to vector<16xf32>
      %broadcast_in_dim3A_444 = vector.broadcast %jit3A_442 : f32 to vector<16xf32>
      %select_n3A_445 = arith.select %eq3A_440, %broadcast_in_dim3A_443, %broadcast_in_dim3A_444 : vector<16xi1>, vector<16xf32>
      %add3A_446 = arith.addf %scan3A_114, %select_n3A_445 : vector<16xf32>
      %eq3A_447 = arith.constant 1 : i32
      %eq3A_448 = vector.broadcast %eq3A_447 : i32 to vector<16xi32>
      %eq3A_449 = arith.cmpi eq, %select_n3A_395, %eq3A_448 : vector<16xi32>
      %jit3A_450 = arith.constant 1.000000e+00 : f32
      %jit3A_451 = arith.constant 0.000000e+00 : f32
      %broadcast_in_dim3A_452 = vector.broadcast %jit3A_450 : f32 to vector<16xf32>
      %broadcast_in_dim3A_453 = vector.broadcast %jit3A_451 : f32 to vector<16xf32>
      %select_n3A_454 = arith.select %eq3A_449, %broadcast_in_dim3A_452, %broadcast_in_dim3A_453 : vector<16xi1>, vector<16xf32>
      %add3A_455 = arith.addf %add3A_446, %select_n3A_454 : vector<16xf32>
      %eq3A_456 = arith.constant 2 : i32
      %eq3A_457 = vector.broadcast %eq3A_456 : i32 to vector<16xi32>
      %eq3A_458 = arith.cmpi eq, %select_n3A_397, %eq3A_457 : vector<16xi32>
      %jit3A_459 = arith.constant 1.000000e+00 : f32
      %jit3A_460 = arith.constant 0.000000e+00 : f32
      %broadcast_in_dim3A_461 = vector.broadcast %jit3A_459 : f32 to vector<16xf32>
      %broadcast_in_dim3A_462 = vector.broadcast %jit3A_460 : f32 to vector<16xf32>
      %select_n3A_463 = arith.select %eq3A_458, %broadcast_in_dim3A_461, %broadcast_in_dim3A_462 : vector<16xi1>, vector<16xf32>
      %add3A_464 = arith.addf %scan3A_115, %select_n3A_463 : vector<16xf32>
      %eq3A_465 = arith.constant 2 : i32
      %eq3A_466 = vector.broadcast %eq3A_465 : i32 to vector<16xi32>
      %eq3A_467 = arith.cmpi eq, %select_n3A_395, %eq3A_466 : vector<16xi32>
      %jit3A_468 = arith.constant 1.000000e+00 : f32
      %jit3A_469 = arith.constant 0.000000e+00 : f32
      %broadcast_in_dim3A_470 = vector.broadcast %jit3A_468 : f32 to vector<16xf32>
      %broadcast_in_dim3A_471 = vector.broadcast %jit3A_469 : f32 to vector<16xf32>
      %select_n3A_472 = arith.select %eq3A_467, %broadcast_in_dim3A_470, %broadcast_in_dim3A_471 : vector<16xi1>, vector<16xf32>
      %add3A_473 = arith.addf %add3A_464, %select_n3A_472 : vector<16xf32>
      %eq3A_474 = arith.constant 3 : i32
      %eq3A_475 = vector.broadcast %eq3A_474 : i32 to vector<16xi32>
      %eq3A_476 = arith.cmpi eq, %select_n3A_397, %eq3A_475 : vector<16xi32>
      %jit3A_477 = arith.constant 1.000000e+00 : f32
      %jit3A_478 = arith.constant 0.000000e+00 : f32
      %broadcast_in_dim3A_479 = vector.broadcast %jit3A_477 : f32 to vector<16xf32>
      %broadcast_in_dim3A_480 = vector.broadcast %jit3A_478 : f32 to vector<16xf32>
      %select_n3A_481 = arith.select %eq3A_476, %broadcast_in_dim3A_479, %broadcast_in_dim3A_480 : vector<16xi1>, vector<16xf32>
      %add3A_482 = arith.addf %scan3A_116, %select_n3A_481 : vector<16xf32>
      %eq3A_483 = arith.constant 3 : i32
      %eq3A_484 = vector.broadcast %eq3A_483 : i32 to vector<16xi32>
      %eq3A_485 = arith.cmpi eq, %select_n3A_395, %eq3A_484 : vector<16xi32>
      %jit3A_486 = arith.constant 1.000000e+00 : f32
      %jit3A_487 = arith.constant 0.000000e+00 : f32
      %broadcast_in_dim3A_488 = vector.broadcast %jit3A_486 : f32 to vector<16xf32>
      %broadcast_in_dim3A_489 = vector.broadcast %jit3A_487 : f32 to vector<16xf32>
      %select_n3A_490 = arith.select %eq3A_485, %broadcast_in_dim3A_488, %broadcast_in_dim3A_489 : vector<16xi1>, vector<16xf32>
      %add3A_491 = arith.addf %add3A_482, %select_n3A_490 : vector<16xf32>
      %eq3A_492 = arith.constant 4 : i32
      %eq3A_493 = vector.broadcast %eq3A_492 : i32 to vector<16xi32>
      %eq3A_494 = arith.cmpi eq, %select_n3A_397, %eq3A_493 : vector<16xi32>
      %jit3A_495 = arith.constant 1.000000e+00 : f32
      %jit3A_496 = arith.constant 0.000000e+00 : f32
      %broadcast_in_dim3A_497 = vector.broadcast %jit3A_495 : f32 to vector<16xf32>
      %broadcast_in_dim3A_498 = vector.broadcast %jit3A_496 : f32 to vector<16xf32>
      %select_n3A_499 = arith.select %eq3A_494, %broadcast_in_dim3A_497, %broadcast_in_dim3A_498 : vector<16xi1>, vector<16xf32>
      %add3A_500 = arith.addf %scan3A_117, %select_n3A_499 : vector<16xf32>
      %eq3A_501 = arith.constant 4 : i32
      %eq3A_502 = vector.broadcast %eq3A_501 : i32 to vector<16xi32>
      %eq3A_503 = arith.cmpi eq, %select_n3A_395, %eq3A_502 : vector<16xi32>
      %jit3A_504 = arith.constant 1.000000e+00 : f32
      %jit3A_505 = arith.constant 0.000000e+00 : f32
      %broadcast_in_dim3A_506 = vector.broadcast %jit3A_504 : f32 to vector<16xf32>
      %broadcast_in_dim3A_507 = vector.broadcast %jit3A_505 : f32 to vector<16xf32>
      %select_n3A_508 = arith.select %eq3A_503, %broadcast_in_dim3A_506, %broadcast_in_dim3A_507 : vector<16xi1>, vector<16xf32>
      %add3A_509 = arith.addf %add3A_500, %select_n3A_508 : vector<16xf32>
      %eq3A_510 = arith.constant 5 : i32
      %eq3A_511 = vector.broadcast %eq3A_510 : i32 to vector<16xi32>
      %eq3A_512 = arith.cmpi eq, %select_n3A_397, %eq3A_511 : vector<16xi32>
      %jit3A_513 = arith.constant 1.000000e+00 : f32
      %jit3A_514 = arith.constant 0.000000e+00 : f32
      %broadcast_in_dim3A_515 = vector.broadcast %jit3A_513 : f32 to vector<16xf32>
      %broadcast_in_dim3A_516 = vector.broadcast %jit3A_514 : f32 to vector<16xf32>
      %select_n3A_517 = arith.select %eq3A_512, %broadcast_in_dim3A_515, %broadcast_in_dim3A_516 : vector<16xi1>, vector<16xf32>
      %add3A_518 = arith.addf %scan3A_118, %select_n3A_517 : vector<16xf32>
      %eq3A_519 = arith.constant 5 : i32
      %eq3A_520 = vector.broadcast %eq3A_519 : i32 to vector<16xi32>
      %eq3A_521 = arith.cmpi eq, %select_n3A_395, %eq3A_520 : vector<16xi32>
      %jit3A_522 = arith.constant 1.000000e+00 : f32
      %jit3A_523 = arith.constant 0.000000e+00 : f32
      %broadcast_in_dim3A_524 = vector.broadcast %jit3A_522 : f32 to vector<16xf32>
      %broadcast_in_dim3A_525 = vector.broadcast %jit3A_523 : f32 to vector<16xf32>
      %select_n3A_526 = arith.select %eq3A_521, %broadcast_in_dim3A_524, %broadcast_in_dim3A_525 : vector<16xi1>, vector<16xf32>
      %add3A_527 = arith.addf %add3A_518, %select_n3A_526 : vector<16xf32>
      %eq3A_528 = arith.constant 6 : i32
      %eq3A_529 = vector.broadcast %eq3A_528 : i32 to vector<16xi32>
      %eq3A_530 = arith.cmpi eq, %select_n3A_397, %eq3A_529 : vector<16xi32>
      %jit3A_531 = arith.constant 1.000000e+00 : f32
      %jit3A_532 = arith.constant 0.000000e+00 : f32
      %broadcast_in_dim3A_533 = vector.broadcast %jit3A_531 : f32 to vector<16xf32>
      %broadcast_in_dim3A_534 = vector.broadcast %jit3A_532 : f32 to vector<16xf32>
      %select_n3A_535 = arith.select %eq3A_530, %broadcast_in_dim3A_533, %broadcast_in_dim3A_534 : vector<16xi1>, vector<16xf32>
      %add3A_536 = arith.addf %scan3A_119, %select_n3A_535 : vector<16xf32>
      %eq3A_537 = arith.constant 6 : i32
      %eq3A_538 = vector.broadcast %eq3A_537 : i32 to vector<16xi32>
      %eq3A_539 = arith.cmpi eq, %select_n3A_395, %eq3A_538 : vector<16xi32>
      %jit3A_540 = arith.constant 1.000000e+00 : f32
      %jit3A_541 = arith.constant 0.000000e+00 : f32
      %broadcast_in_dim3A_542 = vector.broadcast %jit3A_540 : f32 to vector<16xf32>
      %broadcast_in_dim3A_543 = vector.broadcast %jit3A_541 : f32 to vector<16xf32>
      %select_n3A_544 = arith.select %eq3A_539, %broadcast_in_dim3A_542, %broadcast_in_dim3A_543 : vector<16xi1>, vector<16xf32>
      %add3A_545 = arith.addf %add3A_536, %select_n3A_544 : vector<16xf32>
      %eq3A_546 = arith.constant 7 : i32
      %eq3A_547 = vector.broadcast %eq3A_546 : i32 to vector<16xi32>
      %eq3A_548 = arith.cmpi eq, %select_n3A_397, %eq3A_547 : vector<16xi32>
      %jit3A_549 = arith.constant 1.000000e+00 : f32
      %jit3A_550 = arith.constant 0.000000e+00 : f32
      %broadcast_in_dim3A_551 = vector.broadcast %jit3A_549 : f32 to vector<16xf32>
      %broadcast_in_dim3A_552 = vector.broadcast %jit3A_550 : f32 to vector<16xf32>
      %select_n3A_553 = arith.select %eq3A_548, %broadcast_in_dim3A_551, %broadcast_in_dim3A_552 : vector<16xi1>, vector<16xf32>
      %add3A_554 = arith.addf %scan3A_120, %select_n3A_553 : vector<16xf32>
      %eq3A_555 = arith.constant 7 : i32
      %eq3A_556 = vector.broadcast %eq3A_555 : i32 to vector<16xi32>
      %eq3A_557 = arith.cmpi eq, %select_n3A_395, %eq3A_556 : vector<16xi32>
      %jit3A_558 = arith.constant 1.000000e+00 : f32
      %jit3A_559 = arith.constant 0.000000e+00 : f32
      %broadcast_in_dim3A_560 = vector.broadcast %jit3A_558 : f32 to vector<16xf32>
      %broadcast_in_dim3A_561 = vector.broadcast %jit3A_559 : f32 to vector<16xf32>
      %select_n3A_562 = arith.select %eq3A_557, %broadcast_in_dim3A_560, %broadcast_in_dim3A_561 : vector<16xi1>, vector<16xf32>
      %add3A_563 = arith.addf %add3A_554, %select_n3A_562 : vector<16xf32>
      %eq3A_564 = arith.constant 8 : i32
      %eq3A_565 = vector.broadcast %eq3A_564 : i32 to vector<16xi32>
      %eq3A_566 = arith.cmpi eq, %select_n3A_397, %eq3A_565 : vector<16xi32>
      %jit3A_567 = arith.constant 1.000000e+00 : f32
      %jit3A_568 = arith.constant 0.000000e+00 : f32
      %broadcast_in_dim3A_569 = vector.broadcast %jit3A_567 : f32 to vector<16xf32>
      %broadcast_in_dim3A_570 = vector.broadcast %jit3A_568 : f32 to vector<16xf32>
      %select_n3A_571 = arith.select %eq3A_566, %broadcast_in_dim3A_569, %broadcast_in_dim3A_570 : vector<16xi1>, vector<16xf32>
      %add3A_572 = arith.addf %scan3A_121, %select_n3A_571 : vector<16xf32>
      %eq3A_573 = arith.constant 8 : i32
      %eq3A_574 = vector.broadcast %eq3A_573 : i32 to vector<16xi32>
      %eq3A_575 = arith.cmpi eq, %select_n3A_395, %eq3A_574 : vector<16xi32>
      %jit3A_576 = arith.constant 1.000000e+00 : f32
      %jit3A_577 = arith.constant 0.000000e+00 : f32
      %broadcast_in_dim3A_578 = vector.broadcast %jit3A_576 : f32 to vector<16xf32>
      %broadcast_in_dim3A_579 = vector.broadcast %jit3A_577 : f32 to vector<16xf32>
      %select_n3A_580 = arith.select %eq3A_575, %broadcast_in_dim3A_578, %broadcast_in_dim3A_579 : vector<16xi1>, vector<16xf32>
      %add3A_581 = arith.addf %add3A_572, %select_n3A_580 : vector<16xf32>
      %eq3A_582 = arith.constant 9 : i32
      %eq3A_583 = vector.broadcast %eq3A_582 : i32 to vector<16xi32>
      %eq3A_584 = arith.cmpi eq, %select_n3A_397, %eq3A_583 : vector<16xi32>
      %jit3A_585 = arith.constant 1.000000e+00 : f32
      %jit3A_586 = arith.constant 0.000000e+00 : f32
      %broadcast_in_dim3A_587 = vector.broadcast %jit3A_585 : f32 to vector<16xf32>
      %broadcast_in_dim3A_588 = vector.broadcast %jit3A_586 : f32 to vector<16xf32>
      %select_n3A_589 = arith.select %eq3A_584, %broadcast_in_dim3A_587, %broadcast_in_dim3A_588 : vector<16xi1>, vector<16xf32>
      %add3A_590 = arith.addf %scan3A_122, %select_n3A_589 : vector<16xf32>
      %eq3A_591 = arith.constant 9 : i32
      %eq3A_592 = vector.broadcast %eq3A_591 : i32 to vector<16xi32>
      %eq3A_593 = arith.cmpi eq, %select_n3A_395, %eq3A_592 : vector<16xi32>
      %jit3A_594 = arith.constant 1.000000e+00 : f32
      %jit3A_595 = arith.constant 0.000000e+00 : f32
      %broadcast_in_dim3A_596 = vector.broadcast %jit3A_594 : f32 to vector<16xf32>
      %broadcast_in_dim3A_597 = vector.broadcast %jit3A_595 : f32 to vector<16xf32>
      %select_n3A_598 = arith.select %eq3A_593, %broadcast_in_dim3A_596, %broadcast_in_dim3A_597 : vector<16xi1>, vector<16xf32>
      %add3A_599 = arith.addf %add3A_590, %select_n3A_598 : vector<16xf32>
      %eq3A_600 = arith.constant 10 : i32
      %eq3A_601 = vector.broadcast %eq3A_600 : i32 to vector<16xi32>
      %eq3A_602 = arith.cmpi eq, %select_n3A_397, %eq3A_601 : vector<16xi32>
      %jit3A_603 = arith.constant 1.000000e+00 : f32
      %jit3A_604 = arith.constant 0.000000e+00 : f32
      %broadcast_in_dim3A_605 = vector.broadcast %jit3A_603 : f32 to vector<16xf32>
      %broadcast_in_dim3A_606 = vector.broadcast %jit3A_604 : f32 to vector<16xf32>
      %select_n3A_607 = arith.select %eq3A_602, %broadcast_in_dim3A_605, %broadcast_in_dim3A_606 : vector<16xi1>, vector<16xf32>
      %add3A_608 = arith.addf %scan3A_123, %select_n3A_607 : vector<16xf32>
      %eq3A_609 = arith.constant 10 : i32
      %eq3A_610 = vector.broadcast %eq3A_609 : i32 to vector<16xi32>
      %eq3A_611 = arith.cmpi eq, %select_n3A_395, %eq3A_610 : vector<16xi32>
      %jit3A_612 = arith.constant 1.000000e+00 : f32
      %jit3A_613 = arith.constant 0.000000e+00 : f32
      %broadcast_in_dim3A_614 = vector.broadcast %jit3A_612 : f32 to vector<16xf32>
      %broadcast_in_dim3A_615 = vector.broadcast %jit3A_613 : f32 to vector<16xf32>
      %select_n3A_616 = arith.select %eq3A_611, %broadcast_in_dim3A_614, %broadcast_in_dim3A_615 : vector<16xi1>, vector<16xf32>
      %add3A_617 = arith.addf %add3A_608, %select_n3A_616 : vector<16xf32>
      %eq3A_618 = arith.constant 11 : i32
      %eq3A_619 = vector.broadcast %eq3A_618 : i32 to vector<16xi32>
      %eq3A_620 = arith.cmpi eq, %select_n3A_397, %eq3A_619 : vector<16xi32>
      %jit3A_621 = arith.constant 1.000000e+00 : f32
      %jit3A_622 = arith.constant 0.000000e+00 : f32
      %broadcast_in_dim3A_623 = vector.broadcast %jit3A_621 : f32 to vector<16xf32>
      %broadcast_in_dim3A_624 = vector.broadcast %jit3A_622 : f32 to vector<16xf32>
      %select_n3A_625 = arith.select %eq3A_620, %broadcast_in_dim3A_623, %broadcast_in_dim3A_624 : vector<16xi1>, vector<16xf32>
      %add3A_626 = arith.addf %scan3A_124, %select_n3A_625 : vector<16xf32>
      %eq3A_627 = arith.constant 11 : i32
      %eq3A_628 = vector.broadcast %eq3A_627 : i32 to vector<16xi32>
      %eq3A_629 = arith.cmpi eq, %select_n3A_395, %eq3A_628 : vector<16xi32>
      %jit3A_630 = arith.constant 1.000000e+00 : f32
      %jit3A_631 = arith.constant 0.000000e+00 : f32
      %broadcast_in_dim3A_632 = vector.broadcast %jit3A_630 : f32 to vector<16xf32>
      %broadcast_in_dim3A_633 = vector.broadcast %jit3A_631 : f32 to vector<16xf32>
      %select_n3A_634 = arith.select %eq3A_629, %broadcast_in_dim3A_632, %broadcast_in_dim3A_633 : vector<16xi1>, vector<16xf32>
      %add3A_635 = arith.addf %add3A_626, %select_n3A_634 : vector<16xf32>
      %eq3A_636 = arith.constant 12 : i32
      %eq3A_637 = vector.broadcast %eq3A_636 : i32 to vector<16xi32>
      %eq3A_638 = arith.cmpi eq, %select_n3A_397, %eq3A_637 : vector<16xi32>
      %jit3A_639 = arith.constant 1.000000e+00 : f32
      %jit3A_640 = arith.constant 0.000000e+00 : f32
      %broadcast_in_dim3A_641 = vector.broadcast %jit3A_639 : f32 to vector<16xf32>
      %broadcast_in_dim3A_642 = vector.broadcast %jit3A_640 : f32 to vector<16xf32>
      %select_n3A_643 = arith.select %eq3A_638, %broadcast_in_dim3A_641, %broadcast_in_dim3A_642 : vector<16xi1>, vector<16xf32>
      %add3A_644 = arith.addf %scan3A_125, %select_n3A_643 : vector<16xf32>
      %eq3A_645 = arith.constant 12 : i32
      %eq3A_646 = vector.broadcast %eq3A_645 : i32 to vector<16xi32>
      %eq3A_647 = arith.cmpi eq, %select_n3A_395, %eq3A_646 : vector<16xi32>
      %jit3A_648 = arith.constant 1.000000e+00 : f32
      %jit3A_649 = arith.constant 0.000000e+00 : f32
      %broadcast_in_dim3A_650 = vector.broadcast %jit3A_648 : f32 to vector<16xf32>
      %broadcast_in_dim3A_651 = vector.broadcast %jit3A_649 : f32 to vector<16xf32>
      %select_n3A_652 = arith.select %eq3A_647, %broadcast_in_dim3A_650, %broadcast_in_dim3A_651 : vector<16xi1>, vector<16xf32>
      %add3A_653 = arith.addf %add3A_644, %select_n3A_652 : vector<16xf32>
      %eq3A_654 = arith.constant 13 : i32
      %eq3A_655 = vector.broadcast %eq3A_654 : i32 to vector<16xi32>
      %eq3A_656 = arith.cmpi eq, %select_n3A_397, %eq3A_655 : vector<16xi32>
      %jit3A_657 = arith.constant 1.000000e+00 : f32
      %jit3A_658 = arith.constant 0.000000e+00 : f32
      %broadcast_in_dim3A_659 = vector.broadcast %jit3A_657 : f32 to vector<16xf32>
      %broadcast_in_dim3A_660 = vector.broadcast %jit3A_658 : f32 to vector<16xf32>
      %select_n3A_661 = arith.select %eq3A_656, %broadcast_in_dim3A_659, %broadcast_in_dim3A_660 : vector<16xi1>, vector<16xf32>
      %add3A_662 = arith.addf %scan3A_126, %select_n3A_661 : vector<16xf32>
      %eq3A_663 = arith.constant 13 : i32
      %eq3A_664 = vector.broadcast %eq3A_663 : i32 to vector<16xi32>
      %eq3A_665 = arith.cmpi eq, %select_n3A_395, %eq3A_664 : vector<16xi32>
      %jit3A_666 = arith.constant 1.000000e+00 : f32
      %jit3A_667 = arith.constant 0.000000e+00 : f32
      %broadcast_in_dim3A_668 = vector.broadcast %jit3A_666 : f32 to vector<16xf32>
      %broadcast_in_dim3A_669 = vector.broadcast %jit3A_667 : f32 to vector<16xf32>
      %select_n3A_670 = arith.select %eq3A_665, %broadcast_in_dim3A_668, %broadcast_in_dim3A_669 : vector<16xi1>, vector<16xf32>
      %add3A_671 = arith.addf %add3A_662, %select_n3A_670 : vector<16xf32>
      %eq3A_672 = arith.constant 14 : i32
      %eq3A_673 = vector.broadcast %eq3A_672 : i32 to vector<16xi32>
      %eq3A_674 = arith.cmpi eq, %select_n3A_397, %eq3A_673 : vector<16xi32>
      %jit3A_675 = arith.constant 1.000000e+00 : f32
      %jit3A_676 = arith.constant 0.000000e+00 : f32
      %broadcast_in_dim3A_677 = vector.broadcast %jit3A_675 : f32 to vector<16xf32>
      %broadcast_in_dim3A_678 = vector.broadcast %jit3A_676 : f32 to vector<16xf32>
      %select_n3A_679 = arith.select %eq3A_674, %broadcast_in_dim3A_677, %broadcast_in_dim3A_678 : vector<16xi1>, vector<16xf32>
      %add3A_680 = arith.addf %scan3A_127, %select_n3A_679 : vector<16xf32>
      %eq3A_681 = arith.constant 14 : i32
      %eq3A_682 = vector.broadcast %eq3A_681 : i32 to vector<16xi32>
      %eq3A_683 = arith.cmpi eq, %select_n3A_395, %eq3A_682 : vector<16xi32>
      %jit3A_684 = arith.constant 1.000000e+00 : f32
      %jit3A_685 = arith.constant 0.000000e+00 : f32
      %broadcast_in_dim3A_686 = vector.broadcast %jit3A_684 : f32 to vector<16xf32>
      %broadcast_in_dim3A_687 = vector.broadcast %jit3A_685 : f32 to vector<16xf32>
      %select_n3A_688 = arith.select %eq3A_683, %broadcast_in_dim3A_686, %broadcast_in_dim3A_687 : vector<16xi1>, vector<16xf32>
      %add3A_689 = arith.addf %add3A_680, %select_n3A_688 : vector<16xf32>
      %eq3A_690 = arith.constant 15 : i32
      %eq3A_691 = vector.broadcast %eq3A_690 : i32 to vector<16xi32>
      %eq3A_692 = arith.cmpi eq, %select_n3A_397, %eq3A_691 : vector<16xi32>
      %jit3A_693 = arith.constant 1.000000e+00 : f32
      %jit3A_694 = arith.constant 0.000000e+00 : f32
      %broadcast_in_dim3A_695 = vector.broadcast %jit3A_693 : f32 to vector<16xf32>
      %broadcast_in_dim3A_696 = vector.broadcast %jit3A_694 : f32 to vector<16xf32>
      %select_n3A_697 = arith.select %eq3A_692, %broadcast_in_dim3A_695, %broadcast_in_dim3A_696 : vector<16xi1>, vector<16xf32>
      %add3A_698 = arith.addf %scan3A_128, %select_n3A_697 : vector<16xf32>
      %eq3A_699 = arith.constant 15 : i32
      %eq3A_700 = vector.broadcast %eq3A_699 : i32 to vector<16xi32>
      %eq3A_701 = arith.cmpi eq, %select_n3A_395, %eq3A_700 : vector<16xi32>
      %jit3A_702 = arith.constant 1.000000e+00 : f32
      %jit3A_703 = arith.constant 0.000000e+00 : f32
      %broadcast_in_dim3A_704 = vector.broadcast %jit3A_702 : f32 to vector<16xf32>
      %broadcast_in_dim3A_705 = vector.broadcast %jit3A_703 : f32 to vector<16xf32>
      %select_n3A_706 = arith.select %eq3A_701, %broadcast_in_dim3A_704, %broadcast_in_dim3A_705 : vector<16xi1>, vector<16xf32>
      %add3A_707 = arith.addf %add3A_698, %select_n3A_706 : vector<16xf32>
      scf.yield %add3A_437, %add3A_455, %add3A_473, %add3A_491, %add3A_509, %add3A_527, %add3A_545, %add3A_563, %add3A_581, %add3A_599, %add3A_617, %add3A_635, %add3A_653, %add3A_671, %add3A_689, %add3A_707 : vector<16xf32>, vector<16xf32>, vector<16xf32>, vector<16xf32>, vector<16xf32>, vector<16xf32>, vector<16xf32>, vector<16xf32>, vector<16xf32>, vector<16xf32>, vector<16xf32>, vector<16xf32>, vector<16xf32>, vector<16xf32>, vector<16xf32>, vector<16xf32>
    }
    %scan3A_12 = arith.constant 32 : i32
    %swap3A = arith.constant 0 : i32
    %swap3A_13 = arith.index_cast %swap3A : i32 to index
    %swap3A_14 = arith.constant 0 : index
    %swap3A_15 = tpu.vector_load %arg11[%swap3A_13, %swap3A_14] {strides = array<i32>} : memref<16x16xf32, #tpu.memory_space<vmem>>, vector<1x16xf32>,
    %swap3A_16 = vector.shape_cast %swap3A_15 : vector<1x16xf32> to vector<16xf32>
    %swap3A_17 = vector.shape_cast %scan3A_11#0 : vector<16xf32> to vector<1x16xf32>
    tpu.vector_store %arg11[%swap3A_13, %swap3A_14], %swap3A_17 {strides = array<i32>} : memref<16x16xf32, #tpu.memory_space<vmem>>, vector<1x16xf32>,
    %swap3A_18 = arith.constant 1 : i32
    %swap3A_19 = arith.index_cast %swap3A_18 : i32 to index
    %swap3A_20 = arith.constant 0 : index
    %swap3A_21 = tpu.vector_load %arg11[%swap3A_19, %swap3A_20] {strides = array<i32>} : memref<16x16xf32, #tpu.memory_space<vmem>>, vector<1x16xf32>,
    %swap3A_22 = vector.shape_cast %swap3A_21 : vector<1x16xf32> to vector<16xf32>
    %swap3A_23 = vector.shape_cast %scan3A_11#1 : vector<16xf32> to vector<1x16xf32>
    tpu.vector_store %arg11[%swap3A_19, %swap3A_20], %swap3A_23 {strides = array<i32>} : memref<16x16xf32, #tpu.memory_space<vmem>>, vector<1x16xf32>,
    %swap3A_24 = arith.constant 2 : i32
    %swap3A_25 = arith.index_cast %swap3A_24 : i32 to index
    %swap3A_26 = arith.constant 0 : index
    %swap3A_27 = tpu.vector_load %arg11[%swap3A_25, %swap3A_26] {strides = array<i32>} : memref<16x16xf32, #tpu.memory_space<vmem>>, vector<1x16xf32>,
    %swap3A_28 = vector.shape_cast %swap3A_27 : vector<1x16xf32> to vector<16xf32>
    %swap3A_29 = vector.shape_cast %scan3A_11#2 : vector<16xf32> to vector<1x16xf32>
    tpu.vector_store %arg11[%swap3A_25, %swap3A_26], %swap3A_29 {strides = array<i32>} : memref<16x16xf32, #tpu.memory_space<vmem>>, vector<1x16xf32>,
    %swap3A_30 = arith.constant 3 : i32
    %swap3A_31 = arith.index_cast %swap3A_30 : i32 to index
    %swap3A_32 = arith.constant 0 : index
    %swap3A_33 = tpu.vector_load %arg11[%swap3A_31, %swap3A_32] {strides = array<i32>} : memref<16x16xf32, #tpu.memory_space<vmem>>, vector<1x16xf32>,
    %swap3A_34 = vector.shape_cast %swap3A_33 : vector<1x16xf32> to vector<16xf32>
    %swap3A_35 = vector.shape_cast %scan3A_11#3 : vector<16xf32> to vector<1x16xf32>
    tpu.vector_store %arg11[%swap3A_31, %swap3A_32], %swap3A_35 {strides = array<i32>} : memref<16x16xf32, #tpu.memory_space<vmem>>, vector<1x16xf32>,
    %swap3A_36 = arith.constant 4 : i32
    %swap3A_37 = arith.index_cast %swap3A_36 : i32 to index
    %swap3A_38 = arith.constant 0 : index
    %swap3A_39 = tpu.vector_load %arg11[%swap3A_37, %swap3A_38] {strides = array<i32>} : memref<16x16xf32, #tpu.memory_space<vmem>>, vector<1x16xf32>,
    %swap3A_40 = vector.shape_cast %swap3A_39 : vector<1x16xf32> to vector<16xf32>
    %swap3A_41 = vector.shape_cast %scan3A_11#4 : vector<16xf32> to vector<1x16xf32>
    tpu.vector_store %arg11[%swap3A_37, %swap3A_38], %swap3A_41 {strides = array<i32>} : memref<16x16xf32, #tpu.memory_space<vmem>>, vector<1x16xf32>,
    %swap3A_42 = arith.constant 5 : i32
    %swap3A_43 = arith.index_cast %swap3A_42 : i32 to index
    %swap3A_44 = arith.constant 0 : index
    %swap3A_45 = tpu.vector_load %arg11[%swap3A_43, %swap3A_44] {strides = array<i32>} : memref<16x16xf32, #tpu.memory_space<vmem>>, vector<1x16xf32>,
    %swap3A_46 = vector.shape_cast %swap3A_45 : vector<1x16xf32> to vector<16xf32>
    %swap3A_47 = vector.shape_cast %scan3A_11#5 : vector<16xf32> to vector<1x16xf32>
    tpu.vector_store %arg11[%swap3A_43, %swap3A_44], %swap3A_47 {strides = array<i32>} : memref<16x16xf32, #tpu.memory_space<vmem>>, vector<1x16xf32>,
    %swap3A_48 = arith.constant 6 : i32
    %swap3A_49 = arith.index_cast %swap3A_48 : i32 to index
    %swap3A_50 = arith.constant 0 : index
    %swap3A_51 = tpu.vector_load %arg11[%swap3A_49, %swap3A_50] {strides = array<i32>} : memref<16x16xf32, #tpu.memory_space<vmem>>, vector<1x16xf32>,
    %swap3A_52 = vector.shape_cast %swap3A_51 : vector<1x16xf32> to vector<16xf32>
    %swap3A_53 = vector.shape_cast %scan3A_11#6 : vector<16xf32> to vector<1x16xf32>
    tpu.vector_store %arg11[%swap3A_49, %swap3A_50], %swap3A_53 {strides = array<i32>} : memref<16x16xf32, #tpu.memory_space<vmem>>, vector<1x16xf32>,
    %swap3A_54 = arith.constant 7 : i32
    %swap3A_55 = arith.index_cast %swap3A_54 : i32 to index
    %swap3A_56 = arith.constant 0 : index
    %swap3A_57 = tpu.vector_load %arg11[%swap3A_55, %swap3A_56] {strides = array<i32>} : memref<16x16xf32, #tpu.memory_space<vmem>>, vector<1x16xf32>,
    %swap3A_58 = vector.shape_cast %swap3A_57 : vector<1x16xf32> to vector<16xf32>
    %swap3A_59 = vector.shape_cast %scan3A_11#7 : vector<16xf32> to vector<1x16xf32>
    tpu.vector_store %arg11[%swap3A_55, %swap3A_56], %swap3A_59 {strides = array<i32>} : memref<16x16xf32, #tpu.memory_space<vmem>>, vector<1x16xf32>,
    %swap3A_60 = arith.constant 8 : i32
    %swap3A_61 = arith.index_cast %swap3A_60 : i32 to index
    %swap3A_62 = arith.constant 0 : index
    %swap3A_63 = tpu.vector_load %arg11[%swap3A_61, %swap3A_62] {strides = array<i32>} : memref<16x16xf32, #tpu.memory_space<vmem>>, vector<1x16xf32>,
    %swap3A_64 = vector.shape_cast %swap3A_63 : vector<1x16xf32> to vector<16xf32>
    %swap3A_65 = vector.shape_cast %scan3A_11#8 : vector<16xf32> to vector<1x16xf32>
    tpu.vector_store %arg11[%swap3A_61, %swap3A_62], %swap3A_65 {strides = array<i32>} : memref<16x16xf32, #tpu.memory_space<vmem>>, vector<1x16xf32>,
    %swap3A_66 = arith.constant 9 : i32
    %swap3A_67 = arith.index_cast %swap3A_66 : i32 to index
    %swap3A_68 = arith.constant 0 : index
    %swap3A_69 = tpu.vector_load %arg11[%swap3A_67, %swap3A_68] {strides = array<i32>} : memref<16x16xf32, #tpu.memory_space<vmem>>, vector<1x16xf32>,
    %swap3A_70 = vector.shape_cast %swap3A_69 : vector<1x16xf32> to vector<16xf32>
    %swap3A_71 = vector.shape_cast %scan3A_11#9 : vector<16xf32> to vector<1x16xf32>
    tpu.vector_store %arg11[%swap3A_67, %swap3A_68], %swap3A_71 {strides = array<i32>} : memref<16x16xf32, #tpu.memory_space<vmem>>, vector<1x16xf32>,
    %swap3A_72 = arith.constant 10 : i32
    %swap3A_73 = arith.index_cast %swap3A_72 : i32 to index
    %swap3A_74 = arith.constant 0 : index
    %swap3A_75 = tpu.vector_load %arg11[%swap3A_73, %swap3A_74] {strides = array<i32>} : memref<16x16xf32, #tpu.memory_space<vmem>>, vector<1x16xf32>,
    %swap3A_76 = vector.shape_cast %swap3A_75 : vector<1x16xf32> to vector<16xf32>
    %swap3A_77 = vector.shape_cast %scan3A_11#10 : vector<16xf32> to vector<1x16xf32>
    tpu.vector_store %arg11[%swap3A_73, %swap3A_74], %swap3A_77 {strides = array<i32>} : memref<16x16xf32, #tpu.memory_space<vmem>>, vector<1x16xf32>,
    %swap3A_78 = arith.constant 11 : i32
    %swap3A_79 = arith.index_cast %swap3A_78 : i32 to index
    %swap3A_80 = arith.constant 0 : index
    %swap3A_81 = tpu.vector_load %arg11[%swap3A_79, %swap3A_80] {strides = array<i32>} : memref<16x16xf32, #tpu.memory_space<vmem>>, vector<1x16xf32>,
    %swap3A_82 = vector.shape_cast %swap3A_81 : vector<1x16xf32> to vector<16xf32>
    %swap3A_83 = vector.shape_cast %scan3A_11#11 : vector<16xf32> to vector<1x16xf32>
    tpu.vector_store %arg11[%swap3A_79, %swap3A_80], %swap3A_83 {strides = array<i32>} : memref<16x16xf32, #tpu.memory_space<vmem>>, vector<1x16xf32>,
    %swap3A_84 = arith.constant 12 : i32
    %swap3A_85 = arith.index_cast %swap3A_84 : i32 to index
    %swap3A_86 = arith.constant 0 : index
    %swap3A_87 = tpu.vector_load %arg11[%swap3A_85, %swap3A_86] {strides = array<i32>} : memref<16x16xf32, #tpu.memory_space<vmem>>, vector<1x16xf32>,
    %swap3A_88 = vector.shape_cast %swap3A_87 : vector<1x16xf32> to vector<16xf32>
    %swap3A_89 = vector.shape_cast %scan3A_11#12 : vector<16xf32> to vector<1x16xf32>
    tpu.vector_store %arg11[%swap3A_85, %swap3A_86], %swap3A_89 {strides = array<i32>} : memref<16x16xf32, #tpu.memory_space<vmem>>, vector<1x16xf32>,
    %swap3A_90 = arith.constant 13 : i32
    %swap3A_91 = arith.index_cast %swap3A_90 : i32 to index
    %swap3A_92 = arith.constant 0 : index
    %swap3A_93 = tpu.vector_load %arg11[%swap3A_91, %swap3A_92] {strides = array<i32>} : memref<16x16xf32, #tpu.memory_space<vmem>>, vector<1x16xf32>,
    %swap3A_94 = vector.shape_cast %swap3A_93 : vector<1x16xf32> to vector<16xf32>
    %swap3A_95 = vector.shape_cast %scan3A_11#13 : vector<16xf32> to vector<1x16xf32>
    tpu.vector_store %arg11[%swap3A_91, %swap3A_92], %swap3A_95 {strides = array<i32>} : memref<16x16xf32, #tpu.memory_space<vmem>>, vector<1x16xf32>,
    %swap3A_96 = arith.constant 14 : i32
    %swap3A_97 = arith.index_cast %swap3A_96 : i32 to index
    %swap3A_98 = arith.constant 0 : index
    %swap3A_99 = tpu.vector_load %arg11[%swap3A_97, %swap3A_98] {strides = array<i32>} : memref<16x16xf32, #tpu.memory_space<vmem>>, vector<1x16xf32>,
    %swap3A_100 = vector.shape_cast %swap3A_99 : vector<1x16xf32> to vector<16xf32>
    %swap3A_101 = vector.shape_cast %scan3A_11#14 : vector<16xf32> to vector<1x16xf32>
    tpu.vector_store %arg11[%swap3A_97, %swap3A_98], %swap3A_101 {strides = array<i32>} : memref<16x16xf32, #tpu.memory_space<vmem>>, vector<1x16xf32>,
    %swap3A_102 = arith.constant 15 : i32
    %swap3A_103 = arith.index_cast %swap3A_102 : i32 to index
    %swap3A_104 = arith.constant 0 : index
    %swap3A_105 = tpu.vector_load %arg11[%swap3A_103, %swap3A_104] {strides = array<i32>} : memref<16x16xf32, #tpu.memory_space<vmem>>, vector<1x16xf32>,
    %swap3A_106 = vector.shape_cast %swap3A_105 : vector<1x16xf32> to vector<16xf32>
    %swap3A_107 = vector.shape_cast %scan3A_11#15 : vector<16xf32> to vector<1x16xf32>
    tpu.vector_store %arg11[%swap3A_103, %swap3A_104], %swap3A_107 {strides = array<i32>} : memref<16x16xf32, #tpu.memory_space<vmem>>, vector<1x16xf32>,
    "tpu.region"() ({
      %run_scoped3A = tpu.sem_alloc : memref<!tpu.dma_semaphore, #tpu.memory_space<semaphore_mem>>
      %dma_start3A = tpu.memref_slice %arg3[%mul3A_2] : memref<32768xf32, #tpu.memory_space<hbm>> -> memref<512xf32, #tpu.memory_space<hbm>>
      %dma_start3A_112 = tpu.memref_slice %arg3[%mul3A_2] : memref<32768xf32, #tpu.memory_space<hbm>> -> memref<512xf32, #tpu.memory_space<hbm>>
      tpu.enqueue_dma source(%arg7 : memref<512xf32, #tpu.memory_space<vmem>>) target(%dma_start3A_112 : memref<512xf32, #tpu.memory_space<hbm>>) target_semaphore(%run_scoped3A : memref<!tpu.dma_semaphore, #tpu.memory_space<semaphore_mem>>)
      %dma_wait3A = tpu.memref_slice %arg3[%mul3A_2] : memref<32768xf32, #tpu.memory_space<hbm>> -> memref<512xf32, #tpu.memory_space<hbm>>
      %dma_wait3A_113 = tpu.memref_slice %arg3[%mul3A_2] : memref<32768xf32, #tpu.memory_space<hbm>> -> memref<512xf32, #tpu.memory_space<hbm>>
      tpu.wait_dma2 semaphore(%run_scoped3A : memref<!tpu.dma_semaphore, #tpu.memory_space<semaphore_mem>>) src(%arg7 : memref<512xf32, #tpu.memory_space<vmem>>) dst(%dma_wait3A_113 : memref<512xf32, #tpu.memory_space<hbm>>)
      tpu.yield
    }) : () -> ()
    %add3A_108 = arith.constant 16384 : i32
    %add3A_109 = arith.addi %add3A_108, %mul3A_2 : i32
    "tpu.region"() ({
      %run_scoped3A = tpu.sem_alloc : memref<!tpu.dma_semaphore, #tpu.memory_space<semaphore_mem>>
      %dma_start3A = tpu.memref_slice %arg3[%add3A_109] : memref<32768xf32, #tpu.memory_space<hbm>> -> memref<512xf32, #tpu.memory_space<hbm>>
      %dma_start3A_112 = tpu.memref_slice %arg3[%add3A_109] : memref<32768xf32, #tpu.memory_space<hbm>> -> memref<512xf32, #tpu.memory_space<hbm>>
      tpu.enqueue_dma source(%arg8 : memref<512xf32, #tpu.memory_space<vmem>>) target(%dma_start3A_112 : memref<512xf32, #tpu.memory_space<hbm>>) target_semaphore(%run_scoped3A : memref<!tpu.dma_semaphore, #tpu.memory_space<semaphore_mem>>)
      %dma_wait3A = tpu.memref_slice %arg3[%add3A_109] : memref<32768xf32, #tpu.memory_space<hbm>> -> memref<512xf32, #tpu.memory_space<hbm>>
      %dma_wait3A_113 = tpu.memref_slice %arg3[%add3A_109] : memref<32768xf32, #tpu.memory_space<hbm>> -> memref<512xf32, #tpu.memory_space<hbm>>
      tpu.wait_dma2 semaphore(%run_scoped3A : memref<!tpu.dma_semaphore, #tpu.memory_space<semaphore_mem>>) src(%arg8 : memref<512xf32, #tpu.memory_space<vmem>>) dst(%dma_wait3A_113 : memref<512xf32, #tpu.memory_space<hbm>>)
      tpu.yield
    }) : () -> ()
    "tpu.region"() ({
      %run_scoped3A = tpu.sem_alloc : memref<!tpu.dma_semaphore, #tpu.memory_space<semaphore_mem>>
      %dma_start3A = tpu.memref_slice %arg4[%mul3A_2] : memref<32768xi32, #tpu.memory_space<hbm>> -> memref<512xi32, #tpu.memory_space<hbm>>
      %dma_start3A_112 = tpu.memref_slice %arg4[%mul3A_2] : memref<32768xi32, #tpu.memory_space<hbm>> -> memref<512xi32, #tpu.memory_space<hbm>>
      tpu.enqueue_dma source(%arg9 : memref<512xi32, #tpu.memory_space<vmem>>) target(%dma_start3A_112 : memref<512xi32, #tpu.memory_space<hbm>>) target_semaphore(%run_scoped3A : memref<!tpu.dma_semaphore, #tpu.memory_space<semaphore_mem>>)
      %dma_wait3A = tpu.memref_slice %arg4[%mul3A_2] : memref<32768xi32, #tpu.memory_space<hbm>> -> memref<512xi32, #tpu.memory_space<hbm>>
      %dma_wait3A_113 = tpu.memref_slice %arg4[%mul3A_2] : memref<32768xi32, #tpu.memory_space<hbm>> -> memref<512xi32, #tpu.memory_space<hbm>>
      tpu.wait_dma2 semaphore(%run_scoped3A : memref<!tpu.dma_semaphore, #tpu.memory_space<semaphore_mem>>) src(%arg9 : memref<512xi32, #tpu.memory_space<vmem>>) dst(%dma_wait3A_113 : memref<512xi32, #tpu.memory_space<hbm>>)
      tpu.yield
    }) : () -> ()
    %add3A_110 = arith.constant 16384 : i32
    %add3A_111 = arith.addi %add3A_110, %mul3A_2 : i32
    "tpu.region"() ({
      %run_scoped3A = tpu.sem_alloc : memref<!tpu.dma_semaphore, #tpu.memory_space<semaphore_mem>>
      %dma_start3A = tpu.memref_slice %arg4[%add3A_111] : memref<32768xi32, #tpu.memory_space<hbm>> -> memref<512xi32, #tpu.memory_space<hbm>>
      %dma_start3A_112 = tpu.memref_slice %arg4[%add3A_111] : memref<32768xi32, #tpu.memory_space<hbm>> -> memref<512xi32, #tpu.memory_space<hbm>>
      tpu.enqueue_dma source(%arg10 : memref<512xi32, #tpu.memory_space<vmem>>) target(%dma_start3A_112 : memref<512xi32, #tpu.memory_space<hbm>>) target_semaphore(%run_scoped3A : memref<!tpu.dma_semaphore, #tpu.memory_space<semaphore_mem>>)
      %dma_wait3A = tpu.memref_slice %arg4[%add3A_111] : memref<32768xi32, #tpu.memory_space<hbm>> -> memref<512xi32, #tpu.memory_space<hbm>>
      %dma_wait3A_113 = tpu.memref_slice %arg4[%add3A_111] : memref<32768xi32, #tpu.memory_space<hbm>> -> memref<512xi32, #tpu.memory_space<hbm>>
      tpu.wait_dma2 semaphore(%run_scoped3A : memref<!tpu.dma_semaphore, #tpu.memory_space<semaphore_mem>>) src(%arg10 : memref<512xi32, #tpu.memory_space<vmem>>) dst(%dma_wait3A_113 : memref<512xi32, #tpu.memory_space<hbm>>)
      tpu.yield
    }) : () -> ()
    "tpu.region"() ({
      %run_scoped3A = tpu.sem_alloc : memref<!tpu.dma_semaphore, #tpu.memory_space<semaphore_mem>>
      %dma_start3A = arith.constant 0 : i32
      %dma_start3A_112 = arith.constant 0 : i32
      %dma_start3A_113 = tpu.memref_slice %arg5[%add3A, %dma_start3A, %dma_start3A_112] : memref<32x16x16xf32, #tpu.memory_space<hbm>> -> memref<1x16x16xf32, #tpu.memory_space<hbm>>
      %dma_start3A_114 = tpu.memref_squeeze %dma_start3A_113 : memref<1x16x16xf32, #tpu.memory_space<hbm>> -> memref<16x16xf32, #tpu.memory_space<hbm>>
      %dma_start3A_115 = arith.constant 0 : i32
      %dma_start3A_116 = arith.constant 0 : i32
      %dma_start3A_117 = tpu.memref_slice %arg5[%add3A, %dma_start3A_115, %dma_start3A_116] : memref<32x16x16xf32, #tpu.memory_space<hbm>> -> memref<1x16x16xf32, #tpu.memory_space<hbm>>
      %dma_start3A_118 = tpu.memref_squeeze %dma_start3A_117 : memref<1x16x16xf32, #tpu.memory_space<hbm>> -> memref<16x16xf32, #tpu.memory_space<hbm>>
      tpu.enqueue_dma source(%arg11 : memref<16x16xf32, #tpu.memory_space<vmem>>) target(%dma_start3A_118 : memref<16x16xf32, #tpu.memory_space<hbm>>) target_semaphore(%run_scoped3A : memref<!tpu.dma_semaphore, #tpu.memory_space<semaphore_mem>>)
      %dma_wait3A = arith.constant 0 : i32
      %dma_wait3A_119 = arith.constant 0 : i32
      %dma_wait3A_120 = tpu.memref_slice %arg5[%add3A, %dma_wait3A, %dma_wait3A_119] : memref<32x16x16xf32, #tpu.memory_space<hbm>> -> memref<1x16x16xf32, #tpu.memory_space<hbm>>
      %dma_wait3A_121 = tpu.memref_squeeze %dma_wait3A_120 : memref<1x16x16xf32, #tpu.memory_space<hbm>> -> memref<16x16xf32, #tpu.memory_space<hbm>>
      %dma_wait3A_122 = arith.constant 0 : i32
      %dma_wait3A_123 = arith.constant 0 : i32
      %dma_wait3A_124 = tpu.memref_slice %arg5[%add3A, %dma_wait3A_122, %dma_wait3A_123] : memref<32x16x16xf32, #tpu.memory_space<hbm>> -> memref<1x16x16xf32, #tpu.memory_space<hbm>>
      %dma_wait3A_125 = tpu.memref_squeeze %dma_wait3A_124 : memref<1x16x16xf32, #tpu.memory_space<hbm>> -> memref<16x16xf32, #tpu.memory_space<hbm>>
      tpu.wait_dma2 semaphore(%run_scoped3A : memref<!tpu.dma_semaphore, #tpu.memory_space<semaphore_mem>>) src(%arg11 : memref<16x16xf32, #tpu.memory_space<vmem>>) dst(%dma_wait3A_125 : memref<16x16xf32, #tpu.memory_space<hbm>>)
      tpu.yield
    }) : () -> ()
    return
  }
}

module attributes {stable_mosaic.version = 14 : i64} {
  func.func @_loss_body(%arg0: memref<32x16x16xf32, #tpu.memory_space<vmem>>, %arg1: memref<1x1xf32, #tpu.memory_space<smem>>) attributes {dimension_semantics = [], scalar_prefetch = 0 : i64, scratch_operands = 0 : i64, tpu.core_type = #tpu.core_type<tc>} {
    %get3A = arith.constant 0 : index
    %get3A_0 = arith.constant 0 : index
    %get3A_1 = arith.constant 0 : index
    %get3A_2 = vector.load %arg0[%get3A, %get3A_0, %get3A_1] : memref<32x16x16xf32, #tpu.memory_space<vmem>>, vector<32x16x16xf32>
    %reduce_sum3A = arith.constant dense<0.000000e+00> : vector<16xf32>
    %reduce_sum3A_3 = vector.multi_reduction <add>, %get3A_2, %reduce_sum3A [0, 2] : vector<32x16x16xf32> to vector<16xf32>
    %mul3A = arith.constant 6.10351563E-5 : f32
    %mul3A_4 = vector.broadcast %mul3A : f32 to vector<16xf32>
    %mul3A_5 = arith.mulf %reduce_sum3A_3, %mul3A_4 : vector<16xf32>
    %sub3A = arith.constant 6.250000e-02 : f32
    %sub3A_6 = vector.broadcast %sub3A : f32 to vector<16xf32>
    %sub3A_7 = arith.subf %mul3A_5, %sub3A_6 : vector<16xf32>
    %mul3A_8 = arith.mulf %sub3A_7, %sub3A_7 : vector<16xf32>
    %reduce_sum3A_9 = vector.shape_cast %mul3A_8 : vector<16xf32> to vector<1x16xf32>
    %reduce_sum3A_10 = arith.constant dense<0.000000e+00> : vector<1xf32>
    %reduce_sum3A_11 = vector.multi_reduction <add>, %reduce_sum3A_9, %reduce_sum3A_10 [1] : vector<1x16xf32> to vector<1xf32>
    %reduce_sum3A_12 = vector.shape_cast %reduce_sum3A_11 : vector<1xf32> to vector<1x1xf32>
    %reduce_sum3A_13 = vector.extract %reduce_sum3A_12[0, 0] : f32 from vector<1x1xf32>
    %mul3A_14 = arith.constant 0.00999999977 : f32
    %mul3A_15 = arith.mulf %mul3A_14, %reduce_sum3A_13 : f32
    %swap3A = arith.constant 0 : index
    %swap3A_16 = arith.constant 0 : index
    %swap3A_17 = memref.load %arg1[%swap3A, %swap3A_16] : memref<1x1xf32, #tpu.memory_space<smem>>
    memref.store %mul3A_15, %arg1[%swap3A, %swap3A_16] : memref<1x1xf32, #tpu.memory_space<smem>>
    return
  }
}

module attributes {stable_mosaic.version = 14 : i64} {
  func.func @_matmul_body(%arg0: i32, %arg1: memref<16x2048xf32, #tpu.memory_space<vmem>>, %arg2: memref<1024x2048xf32, #tpu.memory_space<vmem>>, %arg3: memref<2x16x512xf32, #tpu.memory_space<vmem>>) attributes {dimension_semantics = [#tpu.dimension_semantics<arbitrary>], iteration_bounds = array<i64: 16>, scalar_prefetch = 0 : i64, scratch_operands = 0 : i64, tpu.core_type = #tpu.core_type<tc>, window_params = [{pipeline_mode = #tpu.pipeline_mode<synchronous>, transform_indices = @transform_0, window_bounds = array<i64: 16, 2048>}, {transform_indices = @transform_1, window_bounds = array<i64: 1024, 2048>}, {transform_indices = @transform_2, window_bounds = array<i64: 2, 16, 512>}]} {
    %get3A = arith.constant 0 : index
    %get3A_0 = arith.constant 0 : index
    %get3A_1 = vector.load %arg1[%get3A, %get3A_0] : memref<16x2048xf32, #tpu.memory_space<vmem>>, vector<16x2048xf32>
    %get3A_2 = arith.constant 0 : index
    %get3A_3 = arith.constant 0 : index
    %get3A_4 = vector.load %arg2[%get3A_2, %get3A_3] : memref<1024x2048xf32, #tpu.memory_space<vmem>>, vector<1024x2048xf32>
    %dot_general3A = arith.constant dense<0.000000e+00> : vector<16x1024xf32>
    %dot_general3A_5 = tpu.matmul %get3A_1, %get3A_4, %dot_general3A {dimension_numbers = #tpu.dot_dimension_numbers<[1], [1], [0], [0], [0, 0, 1, 0], [], []>, transpose_lhs_hint = false} : vector<16x2048xf32>, vector<1024x2048xf32>, vector<16x1024xf32> -> vector<16x1024xf32>
    %slice3A = vector.extract_strided_slice %dot_general3A_5 {offsets = [0, 0], sizes = [16, 512], strides = [1, 1]} : vector<16x1024xf32> to vector<16x512xf32>
    %swap3A = arith.constant 0 : index
    %swap3A_6 = arith.constant 0 : index
    %swap3A_7 = arith.constant 0 : index
    %swap3A_8 = vector.load %arg3[%swap3A, %swap3A_6, %swap3A_7] : memref<2x16x512xf32, #tpu.memory_space<vmem>>, vector<1x16x512xf32>
    %swap3A_9 = vector.shape_cast %swap3A_8 : vector<1x16x512xf32> to vector<16x512xf32>
    %swap3A_10 = vector.shape_cast %slice3A : vector<16x512xf32> to vector<1x16x512xf32>
    tpu.vector_store %arg3[%swap3A, %swap3A_6, %swap3A_7], %swap3A_10 {strides = array<i32>} : memref<2x16x512xf32, #tpu.memory_space<vmem>>, vector<1x16x512xf32>,
    %slice3A_11 = vector.extract_strided_slice %dot_general3A_5 {offsets = [0, 512], sizes = [16, 512], strides = [1, 1]} : vector<16x1024xf32> to vector<16x512xf32>
    %swap3A_12 = arith.constant 1 : index
    %swap3A_13 = arith.constant 0 : index
    %swap3A_14 = arith.constant 0 : index
    %swap3A_15 = vector.load %arg3[%swap3A_12, %swap3A_13, %swap3A_14] : memref<2x16x512xf32, #tpu.memory_space<vmem>>, vector<1x16x512xf32>
    %swap3A_16 = vector.shape_cast %swap3A_15 : vector<1x16x512xf32> to vector<16x512xf32>
    %swap3A_17 = vector.shape_cast %slice3A_11 : vector<16x512xf32> to vector<1x16x512xf32>
    tpu.vector_store %arg3[%swap3A_12, %swap3A_13, %swap3A_14], %swap3A_17 {strides = array<i32>} : memref<2x16x512xf32, #tpu.memory_space<vmem>>, vector<1x16x512xf32>,
    return
  }
  func.func @transform_0(%arg0: i32) -> (i32, i32) {
    %c0_i32 = arith.constant 0 : i32
    %c0_i32_0 = arith.constant 0 : i32
    %c0_i32_1 = arith.constant 0 : i32
    return %c0_i32, %c0_i32_0 : i32, i32
  }
  func.func @transform_1(%arg0: i32) -> (i32, i32) {
    %c0_i32 = arith.constant 0 : i32
    %c0_i32_0 = arith.constant 0 : i32
    return %arg0, %c0_i32 : i32, i32
  }
  func.func @transform_2(%arg0: i32) -> (i32, i32, i32) {
    %c0_i32 = arith.constant 0 : i32
    %c0_i32_0 = arith.constant 0 : i32
    %c0_i32_1 = arith.constant 0 : i32
    return %arg0, %c0_i32, %c0_i32_0 : i32, i32, i32
  }
}

</mosaic_0001>

<sc_bundles>
// kernel: kernel.5.cloned.1.call-start
scs
__scs_entry_jumppad:
0x0: {  	(pc) =	sbr.rel $0x88, $3  }
0x1: {  	(tag) =	ssettag $0x0;
	lr =	simm.s32 $0x1  }
0x2: {  	[smem:$0x3F9F] =	sst lr;
	_ =	strace $0xD0000000  }
0x3: {  	_ = 	snop  }
0x4: {  	_ = 	snop  }
0x5: {  	_ = 	snop  }
0x6: {  	_ = 	snop  }
0x7: {  	_ = 	snop  }
__scs_overlays_trampoline_lowered:
0x8: {  	[smem:$0x3FAE] =	sst s0  }
0x9: {  	[smem:$0x3FAF] =	sst s1  }
0xa: {  	[smem:$0x3FB0] =	sst s2  }
0xb: {  	[smem:$0x3FB1] =	sst s3  }
0xc: {  	[smem:$0x3FB2] =	sst s4  }
0xd: {  	[smem:$0x3FB3] =	sst s5  }
0xe: {  	[smem:$0x3FB4] =	sst s6  }
0xf: {  	[smem:$0x3FB5] =	sst s7  }
0x10: {  	[smem:$0x3FB6] =	sst s8  }
0x11: {  	[smem:$0x3FB7] =	sst s9;
	s0 =	simm.s32 @!p0 $0x0  }
0x12: {  	s1 =	sld [smem:$0x3F9D];
	s0 =	simm.s32 @p0 $0x1  }
0x13: {  	[smem:$0x3FB8] =	sst s0;
	s0 =	simm.s32 @!p1 $0x0  }
0x14: {  	s2 =	sld [smem:$0x3F9C];
	s0 =	simm.s32 @p1 $0x1  }
0x15: {  	[smem:$0x3FB9] =	sst s0;
	s0 =	simm.s32 @!p2 $0x0  }
0x16: {  	s3 =	sld [smem:$0x3FDB];
	s0 =	simm.s32 @p2 $0x1  }
0x17: {  	s4 =	simm.s32 $0x1BF5;
	[smem:$0x3FBB] =	sst s0  }
0x18: {  	s0 =	sld [smem:$0x3F9E];
	_ =	swait.ge [sflag:s4], $0x0  }
0x19: {  	s7 =	sld [smem:$0x3F9F]  }
0x1a: {  	s8 =	sadd.s32 $0xFFFFE003, lr  }
0x1b: {  	s9 =	sadd.s32 $0xFFFFFEF7, lr;
	s5 =	simm.s32 $0xFFFFFFFF;
	p2 =	slt.u32 s8, $0xFFFFF086  }
0x1c: {  	p1 =	slt.u32 s9, $0xF7A;
	s5 =	simm.s32 @!p2 $0x0  }
0x1d: {  	s5 =	simm.s32 @p1 $0x1;
	p0 =	seq.s32 s7, s2  }
0x1e: {  	s7 =	smul.u32 @!p0 $0xF7A, s2;
	p2 =	seq.s32 @!p0 s5, $0x0  }
0x1f: {  	s9 =	smul.u32 $0xF7A, s1;
	s8 =	simm.s32 @!p0 $0x1BF5;
	p2 =	por !p2, p0  }
0x20: {  	[sflag:s8] =	ssyncset.s32 @!p0 $0xFFFFF086;
	s6 =	sadd.s32 @!p0 s3, s7;
	s7 =	simm.s32 @!p0 $0x108  }
0x21: {  	s3 =	sadd.s32 s3, s9;
	s6 =	sadd.s32 @!p0 $0x88, s6;
	s7 =	simm.s32 @p2 $0x1082  }
0x22: {  	[simem:s7], [sflag:s8] =	dma.local @!p0 [hbm:s6], $0xF7A  }
0x23: {  	s9 =	sor.u32 $0xD0000000, s2;
	s6 =	simm.s32 $0x108;
	_ =	swait.ge @!p0 [sflag:s8], $0x0  }
0x24: {  	s3 =	sadd.s32 $0x88, s3;
	s6 =	simm.s32 @!p1 $0x1082;
	[sflag:s4] =	ssyncset.s32 $0xFFFFF086  }
0x25: {  	[simem:s6], [sflag:s4] =	dma.local [hbm:s3], $0xF7A  }
0x26: {  	[smem:$0x3F9F] =	sst s1;
	(tag) =	ssettag s2;
	_ =	strace s9  }
0x27: {  	s1 =	sld [smem:$0x3FAF]  }
0x28: {  	s2 =	sld [smem:$0x3FB0]  }
0x29: {  	s4 =	sld [smem:$0x3FB2]  }
0x2a: {  	p0 =	seq.s32 s5, $0x0;
	s5 =	sld [smem:$0x3FB3]  }
0x2b: {  	s6 =	sld [smem:$0x3FB4]  }
0x2c: {  	s7 =	sld [smem:$0x3FB5]  }
0x2d: {  	s3 =	simm.s32 $0x108;
	s8 =	sld [smem:$0x3FB6]  }
0x2e: {  	s3 =	simm.s32 @!p0 $0x1082;
	s9 =	sld [smem:$0x3FB7]  }
0x2f: {  	lr =	sadd.s32 s0, s3;
	s0 =	sld [smem:$0x3FAE]  }
0x30: {  	s3 =	sld [smem:$0x3FB1]  }
0x31: {  	[smem:$0x3FBA] =	sst s10  }
0x32: {  	s10 =	sld [smem:$0x3FB8];
	_ =	sdelay $0x3  }
0x33: {  	p0 =	seq.s32 s10, $0x1;
	s10 =	sld [smem:$0x3FBA];
	_ =	sdelay $0x3  }
0x34: {  	[smem:$0x3FBA] =	sst s10  }
0x35: {  	s10 =	sld [smem:$0x3FB9];
	_ =	sdelay $0x3  }
0x36: {  	p1 =	seq.s32 s10, $0x1;
	s10 =	sld [smem:$0x3FBA];
	_ =	sdelay $0x3  }
0x37: {  	[smem:$0x3FBA] =	sst s10  }
0x38: {  	s10 =	sld [smem:$0x3FBB]  }
0x39: {  	_ = 	snop;
	(pc) =	sbr.ind lr, $3  }
0x3a: {  	_ = 	snop  }
0x3b: {  	_ = 	snop  }
0x3c: {  	p2 =	seq.s32 s10, $0x1;
	s10 =	sld [smem:$0x3FBA]  }
0x3d: {  	_ =	shalt  }
0x3e: {  	_ =	shalt  }
0x3f: {  	_ =	shalt  }
0x40: {  	_ =	shalt  }
0x41: {  	_ =	shalt  }
0x42: {  	_ =	shalt  }
0x43: {  	_ =	shalt  }
0x44: {  	_ =	shalt  }
0x45: {  	_ =	shalt  }
0x46: {  	_ =	shalt  }
0x47: {  	_ =	shalt  }
0x48: {  	_ =	shalt  }
0x49: {  	_ =	shalt  }
0x4a: {  	_ =	shalt  }
0x4b: {  	_ =	shalt  }
0x4c: {  	_ =	shalt  }
0x4d: {  	_ =	shalt  }
0x4e: {  	_ =	shalt  }
0x4f: {  	_ =	shalt  }
0x50: {  	_ =	shalt  }
0x51: {  	_ =	shalt  }
0x52: {  	_ =	shalt  }
0x53: {  	_ =	shalt  }
0x54: {  	_ =	shalt  }
0x55: {  	_ =	shalt  }
0x56: {  	_ =	shalt  }
0x57: {  	_ =	shalt  }
0x58: {  	_ =	shalt  }
0x59: {  	_ =	shalt  }
0x5a: {  	_ =	shalt  }
0x5b: {  	_ =	shalt  }
0x5c: {  	_ =	shalt  }
0x5d: {  	_ =	shalt  }
0x5e: {  	_ =	shalt  }
0x5f: {  	_ =	shalt  }
0x60: {  	_ =	shalt  }
0x61: {  	_ =	shalt  }
0x62: {  	_ =	shalt  }
0x63: {  	_ =	shalt  }
0x64: {  	_ =	shalt  }
0x65: {  	_ =	shalt  }
0x66: {  	_ =	shalt  }
0x67: {  	_ =	shalt  }
0x68: {  	_ =	shalt  }
0x69: {  	_ =	shalt  }
0x6a: {  	_ =	shalt  }
0x6b: {  	_ =	shalt  }
0x6c: {  	_ =	shalt  }
0x6d: {  	_ =	shalt  }
0x6e: {  	_ =	shalt  }
0x6f: {  	_ =	shalt  }
0x70: {  	_ =	shalt  }
0x71: {  	_ =	shalt  }
0x72: {  	_ =	shalt  }
0x73: {  	_ =	shalt  }
0x74: {  	_ =	shalt  }
0x75: {  	_ =	shalt  }
0x76: {  	_ =	shalt  }
0x77: {  	_ =	shalt  }
0x78: {  	_ =	shalt  }
0x79: {  	_ =	shalt  }
0x7a: {  	_ =	shalt  }
0x7b: {  	_ =	shalt  }
0x7c: {  	_ =	shalt  }
0x7d: {  	_ =	shalt  }
0x7e: {  	_ =	shalt  }
0x7f: {  	_ =	shalt  }
0x80: {  	_ =	shalt  }
0x81: {  	_ =	shalt  }
0x82: {  	_ =	shalt  }
0x83: {  	_ =	shalt  }
0x84: {  	_ =	shalt  }
0x85: {  	_ =	shalt  }
0x86: {  	_ =	shalt  }
0x87: {  	_ =	shalt  }
.Lfunc_end0:
.L_simem_size_0:
called_computation_lowered:
.L_overlay_start_0:
0x88: {  	s2 =	sld [smem:$0x3FD9]  }
0x89: {  	s3 =	sld [smem:$0x3FFE];
	_ =	sdelay $0x1  }
0x8a: {  	s1 =	srdreg.scid  }
0x8b: {  	s0 =	sand.u32 $0x1, s1  }
0x8c: {  	s14 =	sshll.u32 s0, $0xA;
	s2 =	sadd.s32 s3, s2  }
0x8d: {  	s2 =	sadd.s32 s2, s14  }
0x8e: {  	[smem:$0x3FC6] =	sst s2  }
0x8f: {  	_ = 	snop  }
0x90: {  	s2 =	sld [smem:$0x3FD0];
	_ =	sdelay $0x2  }
0x91: {  	s15 =	simm.s32 $0xA;
	s4 =	simm.s32 $0x10  }
0x92: {  	[smem:s4], [sflag:s15] =	dma.local [hbm:s2], $0x1  }
0x93: {  	_ =	swait.eq [sflag:s15], $0x1  }
0x94: {  	[sflag:s15] =	ssyncset.done $0x0  }
0x95: {  	[sflag:s15] =	ssyncadd.s32 $0xFFFFFFFF  }
0x96: {  	s16 =	sld [smem:$0x11];
	(tm) =	ssettm $0x1  }
0x97: {  	s17 =	sld [smem:$0x3FFB];
	_ =	sdelay $0x3  }
0x98: {  	_ =	strace s17  }
0x99: {  	s3 =	sld [smem:$0x3FFC];
	_ =	sdelay $0x3  }
0x9a: {  	_ =	strace s3  }
0x9b: {  	s3 =	sld [smem:$0x3FFD];
	_ =	sdelay $0x3  }
0x9c: {  	_ =	strace s3  }
0x9d: {  	_ =	strace $0x8FFFFFFF  }
0x9e: {  	s18 =	sld [smem:$0x3FDB];
	_ =	sdelay $0x1  }
0x9f: {  	s19 =	simm.s32 $_scs_section_size  }
0xa0: {  	s5 =	simm.s32 $_size__tile_overlayer_lowered;
	s6 =	simm.s32 $_tile_overlayer_lowered  }
0xa1: {  	s22 =	simm.s32 $0x1BFF;
	s21 =	sshll.u32 s6, $0x1;
	s3 =	sadd.s32 s19, s18  }
0xa2: {  	s7 =	simm.s32 $0x0;
	s20 =	sshll.u32 s5, $0x1;
	s5 =	sadd.s32 s21, s3  }
0xa3: {  	[timem:s7], [sflag:s22] =	dma.local [hbm:s5], s20  }
0xa4: {  	_ =	swait.ge [sflag:s22], s20  }
0xa5: {  	s4 =	ssub.s32 $0x0, s20;
	[sflag:s22] =	ssyncset.done $0x0  }
0xa6: {  	[sflag:s22] =	ssyncadd.s32 s4;
	_ =	sdelay $0x1  }
0xa7: {  	s23 =	simm.s32 $0x1B8B  }
0xa8: {  	_ =	swait.ge [sflag:s23], $0x1  }
0xa9: {  	[sflag:s23] =	ssyncset.done $0x0  }
0xaa: {  	s25 =	simm.s32 $0x1B8E;
	s24 =	sld [smem:$0x3FFE];
	[sflag:s23] =	ssyncadd.s32 $0xFFFFFFFF  }
0xab: {  	s26 =	simm.s32 $execute0_lowered;
	[smem:$0x3FD2] =	sst s25  }
0xac: {  	s5 =	sshll.u32 s26, $0x1;
	_ =	strace $0x80000046;
	[dreg:$0x1] =	wrdreg $0xFFFFFFFF  }
0xad: {  	s28 =	simm.s32 $_size_execute0_lowered;
	s3 =	sadd.s32 s3, s5;
	[dreg:$0x0] =	wrdreg $0x0  }
0xae: {  	s5 =	sshll.u32 s28, $0x1;
	[dreg:$0x2] =	wrdreg s3  }
0xaf: {  	[dreg:$0x3] =	wrdreg s5  }
0xb0: {  	[dreg:$0x4] =	wrdreg $0xC0  }
0xb1: {  	_ =	task [dreg:s7], $0x5FFFF  }
0xb2: {  	[dreg:$0x1] =	wrdreg $0xFFFFFFFF  }
0xb3: {  	[dreg:$0x0] =	wrdreg $0x60  }
0xb4: {  	[dreg:$0x2] =	wrdreg s24  }
0xb5: {  	[dreg:$0x3] =	wrdreg s16  }
0xb6: {  	[dreg:$0x4] =	wrdreg $0x9  }
0xb7: {  	_ =	task.clear_ibuf [dreg:s7], $0x5FFFF;
	_ =	strace $0x90000046  }
0xb8: {  	s29 =	simm.s32 $0x9;
	_ =	strace $0x80000048  }
0xb9: {  	_ =	swait.ge [sflag:s29], $0x1  }
0xba: {  	[sflag:s29] =	ssyncadd.s32 $0xFFFFFFFF  }
0xbb: {  	_ =	strace $0x90000048  }
0xbc: {  	_ =	sfence  }
0xbd: {  	s30 =	sld [smem:$0x0];
	_ =	sdelay $0x2  }
0xbe: {  	s31 =	sshll.u32 s1, $0xD;
	s1 =	sshrl.u32 s1, $0x2  }
0xbf: {  	s3 =	sand.u32 $0x4000, s31;
	s1 =	sadd.s32 s1, s30  }
0xc0: {  	s0 =	sor.u32 s3, s0;
	s1 =	sshll.u32 s1, $0x11  }
0xc1: {  	s0 =	sor.u32 s1, s0  }
0xc2: {  	s0 =	sadd.s32 $0x8F2B, s0  }
0xc3: {  	[sflag:s0] =	ssyncadd.remote.s32 $0x1  }
0xc4: {  	_ =	sfence.sel $0xFFFF  }
0xc5: {  	[dreg:$0x0] =	wrdreg $0xFFFFFFFF;
	(pc) =	sbr.abs _section_cstart, $3  }
0xc6: {  	[dreg:$0x1] =	wrdreg $0xFFFFFFFF  }
0xc7: {  	_ =	task.clear_ibuf [dreg:s7], $0x2FFFF;
	_ =	strace $0x9FFFFFFF  }
0xc8: {  	(tm) =	ssettm $0x7FFFFFFF  }
0xc9: {  	_ =	shalt  }
tec
execute0_lowered:
.L_overlay_start_1:
0x0: {  	(tag) =	ssettag $0x1  }
0x1: {  	s3 =	rddreg [dreg:$0x0];
	s1 =	srdreg.scid  }
0x2: {  	s0 =	stileid.u32;
	s5 =	rddreg [dreg:$0x1];
	s2 =	simm.s32 $0x0  }
0x3: {  	s11 =	simm.s32 $0x2000;
	s12 =	simm.s32 $0x2200;
	s13 =	simm.s32 $0x2400  }
0x4: {  	s14 =	simm.s32 $0x2600;
	s15 =	simm.s32 $0x2800;
	s16 =	simm.s32 $0x0  }
0x5: {  	s4 =	sand.u32 $0x1, s1;
	s6 =	sshll.u32 s0, $0x1;
	s1 =	rddreg [dreg:$0x2]  }
0x6: {  	[smem:$0x7FF] =	sst s2;
	s8 =	sadd.s32 $0xAE00, s3;
	s6 =	sor.u32 s4, s6  }
0x7: {  	_ =	strace $0x80000047;
	s4 =	ssub.s32 $0x2, s4;
	s7 =	sshll.u32 s6, $0xA  }
0x8: {  	s9 =	sshll.u32 s6, $0x8;
	s10 =	sshrl.u32 s4, $0x1;
	s6 =	sshll.u32 s6, $0x6  }
0x9: {  	s7 =	sadd.s32 s7, s3;
	s9 =	sadd.s32 s9, s3;
	s10 =	ssub.s32 s4, s10  }
0xa: {  	s4 =	sadd.s32 s5, s6;
	s31 =	sor.u32 $0x800, s6;
	s6 =	sadd.s32 s8, s6  }
0xb: {  	s3 =	sadd.s32 $0xE00, s7;
	s5 =	sadd.s32 s5, s31;
	s7 =	sadd.s32 s8, s31  }
0xc: {  	v0 =	vimm.s32 $0x0;
	v1 =	vimm.f32 $0.0e+00;
	s8 =	sadd.s32 $0x8E00, s9;
	s9 =	smax.u32 s10, $0x1;
	s10 =	simm.s32 $0x1  }
.LBB2_1:
0xd: {  	[tilespmem:s2], [sflag:$0x1] =	stream.linear.gather [hbm4b:s3+s2], $0x2000, $0x38;
	[tilespmem:$0x3000] =	vst v63  }
0xe: {  	_ =	swait.ge [sflag:s10], $0x2000  }
0xf: {  	s17 =	sand.u32 $0x70, s2;
	s18 =	sand.u32 $0xC00, s2;
	[sflag:s10] =	ssyncset.done $0x0  }
0x10: {  	s17 =	sor.u32 s17, s18;
	[sflag:s10] =	ssyncadd.s32 $0xFFFFE000  }
0x11: {  	v2 =	vld [tilespmem:s17+$0x0]  }
0x12: {  	v3 =	vld [tilespmem:s17+$0x80];
	_ =	sdelay $0x3  }
0x13: {  	v4 =	vld [tilespmem:s17+$0x100];
	vm0 =	vgt.f32 v2, $-Inf  }
0x14: {  	vm1 =	vgt.f32 v3, $-Inf;
	v2 =	vnsel vm0, $0xFF800000, v2;
	vm0 =	vlt.f32 v3, $-Inf  }
0x15: {  	vm2 =	vgt.f32 v3, v2;
	vm0 =	vmor vm1, vm0  }
0x16: {  	v6 =	vld [tilespmem:s17+$0x180];
	vm1 =	vmneg vm2;
	v5 =	vnsel vm0, $0xFF800000, v3  }
0x17: {  	v5 =	vsel vm1, v5, v2  }
0x18: {  	v2 =	vsel vm1, v2, v3;
	vm3 =	vgt.f32 v4, v5  }
0x19: {  	vm4 =	vgt.f32 v4, v2;
	v3 =	vsel vm3, v4, v5;
	v5 =	vld [tilespmem:s17+$0x200]  }
0x1a: {  	v3 =	vsel vm4, v2, v3  }
0x1b: {  	v2 =	vsel vm4, v4, v2;
	vm5 =	vgt.f32 v6, v3  }
0x1c: {  	v4 =	vld [tilespmem:s17+$0x280];
	vm6 =	vgt.f32 v6, v2;
	v3 =	vsel vm5, v6, v3  }
0x1d: {  	v3 =	vsel vm6, v2, v3  }
0x1e: {  	v2 =	vsel vm6, v6, v2;
	vm7 =	vgt.f32 v5, v3  }
0x1f: {  	vm0 =	vmand vm0, vm1;
	v6 =	vld [tilespmem:s17+$0x300];
	vm1 =	vgt.f32 v5, v2;
	v3 =	vsel vm7, v5, v3  }
0x20: {  	v7 =	vsel vm2, $0x1, v0;
	v8 =	vsel vm0, $0x1, v0;
	v3 =	vsel vm1, v2, v3  }
0x21: {  	v8 =	vsel vm3, $0x2, v8;
	v2 =	vsel vm1, v5, v2;
	vm0 =	vgt.f32 v4, v3  }
0x22: {  	v5 =	vsel vm4, v7, v8;
	v8 =	vld [tilespmem:s17+$0x380];
	vm2 =	vgt.f32 v4, v2;
	v3 =	vsel vm0, v4, v3  }
0x23: {  	v7 =	vsel vm4, $0x2, v7;
	v5 =	vsel vm5, $0x3, v5;
	v3 =	vsel vm2, v2, v3  }
0x24: {  	v9 =	vsel vm6, $0x3, v7;
	v2 =	vsel vm2, v4, v2;
	vm3 =	vgt.f32 v6, v3  }
0x25: {  	v4 =	vsel vm6, v7, v5;
	v5 =	vld [tilespmem:s17+$0x1000];
	vm11 =	vgt.f32 v6, v2;
	v3 =	vsel vm3, v6, v3  }
0x26: {  	v7 =	vsel vm1, $0x4, v9;
	v4 =	vsel vm7, $0x4, v4;
	v3 =	vsel vm11, v2, v3  }
0x27: {  	v4 =	vsel vm1, v9, v4;
	v2 =	vsel vm11, v6, v2;
	vm1 =	vgt.f32 v8, v3  }
0x28: {  	v4 =	vsel vm0, $0x5, v4;
	v6 =	vld [tilespmem:s17+$0x1080];
	vm0 =	vgt.f32 v8, v2;
	v3 =	vsel vm1, v8, v3  }
0x29: {  	v4 =	vsel vm2, v7, v4;
	v7 =	vsel vm2, $0x5, v7;
	v3 =	vsel vm0, v2, v3  }
0x2a: {  	v4 =	vsel vm3, $0x6, v4;
	v2 =	vsel vm0, v8, v2;
	vm2 =	vgt.f32 v5, v3  }
0x2b: {  	v4 =	vsel vm11, v7, v4;
	v8 =	vld [tilespmem:s17+$0x1100];
	vm3 =	vgt.f32 v5, v2;
	v3 =	vsel vm2, v5, v3  }
0x2c: {  	v7 =	vsel vm11, $0x6, v7;
	v4 =	vsel vm1, $0x7, v4;
	v3 =	vsel vm3, v2, v3  }
0x2d: {  	v4 =	vsel vm0, v7, v4;
	v2 =	vsel vm3, v5, v2;
	vm1 =	vgt.f32 v6, v3  }
0x2e: {  	v5 =	vsel vm0, $0x7, v7;
	v7 =	vld [tilespmem:s17+$0x1180];
	vm0 =	vgt.f32 v6, v2;
	v3 =	vsel vm1, v6, v3  }
0x2f: {  	v4 =	vsel vm2, $0x8, v4;
	v9 =	vsel vm3, $0x8, v5;
	v3 =	vsel vm0, v2, v3  }
0x30: {  	v4 =	vsel vm3, v5, v4;
	v2 =	vsel vm0, v6, v2;
	vm2 =	vgt.f32 v8, v3  }
0x31: {  	v5 =	vld [tilespmem:s17+$0x1200];
	v4 =	vsel vm1, $0x9, v4;
	vm1 =	vgt.f32 v8, v2;
	v3 =	vsel vm2, v8, v3  }
0x32: {  	v4 =	vsel vm0, v9, v4;
	v3 =	vsel vm1, v2, v3  }
0x33: {  	v6 =	vsel vm0, $0x9, v9;
	v2 =	vsel vm1, v8, v2;
	vm0 =	vgt.f32 v7, v3  }
0x34: {  	v4 =	vsel vm2, $0xA, v4;
	v8 =	vld [tilespmem:s17+$0x1280];
	vm2 =	vgt.f32 v7, v2;
	v3 =	vsel vm0, v7, v3  }
0x35: {  	v4 =	vsel vm1, v6, v4;
	v3 =	vsel vm2, v2, v3  }
0x36: {  	v6 =	vsel vm1, $0xA, v6;
	v2 =	vsel vm2, v7, v2;
	vm1 =	vgt.f32 v5, v3  }
0x37: {  	v4 =	vsel vm0, $0xB, v4;
	v7 =	vld [tilespmem:s17+$0x1300];
	vm0 =	vgt.f32 v5, v2;
	v3 =	vsel vm1, v5, v3  }
0x38: {  	v4 =	vsel vm2, v6, v4;
	v3 =	vsel vm0, v2, v3  }
0x39: {  	v6 =	vsel vm2, $0xB, v6;
	v2 =	vsel vm0, v5, v2;
	vm2 =	vgt.f32 v8, v3  }
0x3a: {  	v4 =	vsel vm1, $0xC, v4;
	v5 =	vld [tilespmem:s17+$0x1380];
	vm1 =	vgt.f32 v8, v2;
	v3 =	vsel vm2, v8, v3  }
0x3b: {  	v4 =	vsel vm0, v6, v4;
	v6 =	vsel vm0, $0xC, v6;
	v3 =	vsel vm1, v2, v3  }
0x3c: {  	v4 =	vsel vm2, $0xD, v4;
	v2 =	vsel vm1, v8, v2;
	vm0 =	vgt.f32 v7, v3  }
0x3d: {  	v4 =	vsel vm1, v6, v4;
	vm2 =	vgt.f32 v7, v2;
	v3 =	vsel vm0, v7, v3  }
0x3e: {  	v6 =	vsel vm1, $0xD, v6;
	v4 =	vsel vm0, $0xE, v4;
	v3 =	vsel vm2, v2, v3  }
0x3f: {  	v4 =	vsel vm2, v6, v4;
	v2 =	vsel vm2, v7, v2;
	vm0 =	vgt.f32 v5, v3  }
0x40: {  	v6 =	vsel vm2, $0xE, v6;
	vm1 =	vgt.f32 v5, v2;
	v3 =	vsel vm0, v5, v3  }
0x41: {  	v4 =	vsel vm0, $0xF, v4;
	v19 =	vsel vm1, $0xF, v6;
	v3 =	vsel vm1, v2, v3  }
0x42: {  	v2 =	vsel vm1, v5, v2;
	v17 =	vsel vm1, v6, v4;
	vm2 =	veq.s32 v19, $0x0  }
0x43: {  	vm1 =	veq.s32 v19, $0x1;
	vm4 =	veq.s32 v19, $0xF;
	v2 =	vsub.f32 v3, v2  }
0x44: {  	vm0 =	veq.s32 v19, $0x3;
	vm5 =	veq.s32 v19, $0x9;
	vm8 =	veq.s32 v19, $0x5  }
0x45: {  	vm12 =	veq.s32 v19, $0x6;
	vm9 =	veq.s32 v19, $0x8;
	v2 =	vmul.f32 $1.442695020e+00, v2  }
0x46: {  	vm10 =	veq.s32 v19, $0xA;
	vm11 =	veq.s32 v19, $0xB;
	vm14 =	veq.s32 v19, $0x4  }
0x47: {  	vm3 =	veq.s32 v17, $0x2;
	vm13 =	veq.s32 v17, $0x4;
	(erf) = vpow2.f32 v2  }
0x48: {  	vm7 =	veq.s32 v17, $0x5;
	v3 =	vsel vm9, $0x3F800000, v1;
	vm6 =	veq.s32 v17, $0xC  }
0x49: {  	vm9 =	veq.s32 v19, $0xE;
	v5 =	vsel vm10, $0x3F800000, v1;
	v7 =	vsel vm8, $0x3F800000, v1  }
0x4a: {  	v8 =	vsel vm11, $0x3F800000, v1;
	vm8 =	veq.s32 v17, $0xD;
	vm10 =	veq.s32 v17, $0x8  }
0x4b: {  	vm11 =	veq.s32 v17, $0xA;
	vm15 =	veq.s32 v17, $0xE;
	v9 =	vsel vm13, $0x3F800000, v1  }
0x4c: {  	v21 =	vsel vm7, $0x3F800000, v1;
	vm13 =	veq.s32 v19, $0x7;
	vm7 =	veq.s32 v17, $0x9  }
0x4d: {  	v22 =	vsel vm11, $0x3F800000, v1;
	v10 =	vsel vm10, $0x3F800000, v1;
	v23 =	vsel vm8, $0x3F800000, v1  }
0x4e: {  	v18 =	vadd.f32 v7, v1;
	v16 =	vadd.f32 v5, v1;
	v5 =	vsel vm4, $0x3F800000, v1  }
0x4f: {  	v20 =	vsel vm15, $0x3F800000, v1;
	v25 =	vadd.f32 v8, v1;
	v2 =	vsel vm12, $0x3F800000, v1  }
0x50: {  	v4 =	vadd.f32 v2, v1;
	v2 =	vadd.f32 v3, v1;
	v3 =	vsel vm9, $0x3F800000, v1;
	v13 =	vpop (erf)  }
0x51: {  	vm15 =	veq.s32 v17, $0x7;
	v12 =	vadd.f32 v3, v1;
	v3 =	vadd.f32 $1.000000000e+00, v13  }
0x52: {  	v14 =	vsel vm13, $0x3F800000, v1;
	vm13 =	veq.s32 v19, $0xC;
	v15 =	vadd.f32 v5, v1  }
0x53: {  	v5 =	vsel vm7, $0x3F800000, v1;
	vm12 =	veq.s32 v19, $0xD;
	(erf) = vrcp.f32 v3  }
0x54: {  	v27 =	vadd.f32 v14, v1;
	v6 =	vsel vm12, $0x3F800000, v1;
	vm12 =	veq.s32 v17, $0xB  }
0x55: {  	v11 =	vsel vm12, $0x3F800000, v1;
	vm12 =	veq.s32 v17, $0x6;
	v3 =	vsel vm14, $0x3F800000, v1  }
0x56: {  	v2 =	vadd.f32 v10, v2;
	v24 =	vadd.f32 v3, v1;
	v3 =	vsel vm12, $0x3F800000, v1  }
0x57: {  	v7 =	vadd.f32 v3, v4;
	v3 =	vsel vm13, $0x3F800000, v1;
	v4 =	vsel vm5, $0x3F800000, v1  }
0x58: {  	vm9 =	veq.s32 v19, $0x2;
	v3 =	vadd.f32 v3, v1;
	v4 =	vadd.f32 v4, v1  }
0x59: {  	v10 =	vsel vm6, $0x3F800000, v1;
	vm14 =	veq.s32 v17, $0xF;
	v14 =	vadd.f32 v9, v24  }
0x5a: {  	v3 =	vadd.f32 v10, v3;
	v10 =	vsel vm14, $0x3F800000, v1;
	v5 =	vadd.f32 v5, v4  }
0x5b: {  	v4 =	vadd.f32 v10, v15;
	v15 =	vsel vm9, $0x3F800000, v1;
	v10 =	vadd.f32 v20, v12  }
0x5c: {  	v20 =	vsel vm3, $0x3F800000, v1;
	v12 =	vadd.f32 v15, v1;
	v15 =	vadd.f32 v6, v1;
	v26 =	vpop (erf)  }
0x5d: {  	v6 =	vadd.f32 v11, v25;
	v11 =	vimm.f32 $0.0e+00;
	v13 =	vmul.f32 v26, v13  }
0x5e: {  	s24 =	simm.s32 $0x10;
	s19 =	simm.s32 $0x80;
	s20 =	simm.s32 $0x2000;
	v8 =	vadd.f32 v20, v12;
	v12 =	vsel vm15, $0x3F800000, v1;
	v20 =	vsel vm2, $0x3F800000, v1;
	[tilespmem:s11+$0x0] =	vst v26  }
0x5f: {  	s21 =	simm.s32 $0x2200;
	s18 =	simm.s32 $0x2400;
	s17 =	simm.s32 $0x2600;
	v9 =	vadd.f32 v12, v27;
	v12 =	vimm.f32 $0.0e+00;
	[tilespmem:s12+$0x0] =	vst v13;
	v13 =	vimm.f32 $0.0e+00  }
.LBB2_2:
0x60: {  	s22 =	smov.u32 s24  }
0x61: {  	s23 =	sand.u32 $0x70, s24;
	s25 =	sand.u32 $0xC00, s19;
	[tilespmem:s18+$0x0] =	vst v19;
	v19 =	vsel vm1, $0x3F800000, v1;
	v16 =	vadd.f32 v22, v16;
	v15 =	vadd.f32 v23, v15;
	s22 =	sadd.s32 $0x10, s24  }
0x62: {  	p0 =	sne.s32 s24, $0x1F0;
	vm1 =	veq.s32 v17, $0x1;
	s23 =	sor.u32 s23, s25;
	v12 =	vadd.f32 v19, v12;
	v19 =	vsel vm0, $0x3F800000, v1;
	[tilespmem:s17+$0x0] =	vst v17  }
0x63: {  	v23 =	vsel vm1, $0x3F800000, v1;
	vm1 =	veq.s32 v17, $0x3;
	v11 =	vadd.f32 v19, v11;
	v22 =	vld [tilespmem:s23+$0x0]  }
0x64: {  	vm0 =	veq.s32 v17, $0x0;
	v17 =	vsel vm1, $0x3F800000, v1;
	v12 =	vadd.f32 v23, v12;
	v19 =	vld [tilespmem:s23+$0x80]  }
0x65: {  	v18 =	vadd.f32 v21, v18;
	v11 =	vadd.f32 v17, v11;
	_ =	sdelay $0x2  }
0x66: {  	vm1 =	vgt.f32 v22, $-Inf;
	v17 =	vld [tilespmem:s23+$0x100]  }
0x67: {  	v21 =	vnsel vm1, $0xFF800000, v22;
	vm1 =	vlt.f32 v19, $-Inf;
	vm2 =	vgt.f32 v19, $-Inf  }
0x68: {  	vm3 =	vgt.f32 v19, v21;
	vm1 =	vmor vm2, vm1  }
0x69: {  	vm2 =	vmneg vm3;
	v22 =	vnsel vm1, $0xFF800000, v19;
	v23 =	vsel vm3, $0x1, v0;
	v24 =	vld [tilespmem:s23+$0x180]  }
0x6a: {  	v22 =	vsel vm2, v22, v21;
	vm1 =	vmand vm1, vm2;
	v19 =	vsel vm2, v21, v19  }
0x6b: {  	v21 =	vsel vm1, $0x1, v0;
	vm1 =	vgt.f32 v17, v19;
	vm2 =	vgt.f32 v17, v22  }
0x6c: {  	v22 =	vsel vm2, v17, v22;
	v21 =	vsel vm2, $0x2, v21;
	v17 =	vsel vm1, v17, v19;
	v25 =	vld [tilespmem:s23+$0x200]  }
0x6d: {  	v19 =	vsel vm1, v19, v22;
	v21 =	vsel vm1, v23, v21;
	v22 =	vsel vm1, $0x2, v23  }
0x6e: {  	vm1 =	vgt.f32 v24, v19  }
0x6f: {  	vm2 =	vgt.f32 v24, v17;
	v19 =	vsel vm1, v24, v19;
	v21 =	vsel vm1, $0x3, v21;
	v23 =	vld [tilespmem:s23+$0x280]  }
0x70: {  	v19 =	vsel vm2, v17, v19;
	v17 =	vsel vm2, v24, v17;
	v24 =	vsel vm2, $0x3, v22  }
0x71: {  	v21 =	vsel vm2, v22, v21;
	vm1 =	vgt.f32 v25, v17;
	vm2 =	vgt.f32 v25, v19  }
0x72: {  	v19 =	vsel vm2, v25, v19;
	v21 =	vsel vm2, $0x4, v21;
	v22 =	vsel vm1, $0x4, v24;
	v26 =	vld [tilespmem:s23+$0x300]  }
0x73: {  	v19 =	vsel vm1, v17, v19;
	v21 =	vsel vm1, v24, v21;
	v17 =	vsel vm1, v25, v17  }
0x74: {  	vm1 =	vgt.f32 v23, v17;
	vm2 =	vgt.f32 v23, v19  }
0x75: {  	v19 =	vsel vm2, v23, v19;
	v21 =	vsel vm2, $0x5, v21;
	v23 =	vsel vm1, v23, v17;
	v24 =	vld [tilespmem:s23+$0x380]  }
0x76: {  	v17 =	vsel vm1, v17, v19;
	v19 =	vsel vm1, v22, v21  }
0x77: {  	v21 =	vsel vm1, $0x5, v22;
	vm1 =	vgt.f32 v26, v17  }
0x78: {  	vm2 =	vgt.f32 v26, v23;
	v17 =	vsel vm1, v26, v17;
	v19 =	vsel vm1, $0x6, v19;
	v22 =	vld [tilespmem:s23+$0x1000]  }
0x79: {  	v17 =	vsel vm2, v23, v17;
	v19 =	vsel vm2, v21, v19;
	v23 =	vsel vm2, v26, v23  }
0x7a: {  	v21 =	vsel vm2, $0x6, v21;
	vm1 =	vgt.f32 v24, v17  }
0x7b: {  	vm2 =	vgt.f32 v24, v23;
	v17 =	vsel vm1, v24, v17;
	v19 =	vsel vm1, $0x7, v19;
	v25 =	vld [tilespmem:s23+$0x1080]  }
0x7c: {  	v17 =	vsel vm2, v23, v17;
	v19 =	vsel vm2, v21, v19;
	v23 =	vsel vm2, v24, v23  }
0x7d: {  	v21 =	vsel vm2, $0x7, v21;
	vm1 =	vgt.f32 v22, v17  }
0x7e: {  	vm2 =	vgt.f32 v22, v23;
	v17 =	vsel vm1, v22, v17;
	v19 =	vsel vm1, $0x8, v19;
	v24 =	vld [tilespmem:s23+$0x1100]  }
0x7f: {  	v22 =	vsel vm2, v22, v23;
	v17 =	vsel vm2, v23, v17;
	v23 =	vsel vm2, $0x8, v21  }
0x80: {  	v19 =	vsel vm2, v21, v19;
	vm1 =	vgt.f32 v25, v17  }
0x81: {  	vm2 =	vgt.f32 v25, v22;
	v17 =	vsel vm1, v25, v17;
	v19 =	vsel vm1, $0x9, v19;
	v21 =	vld [tilespmem:s23+$0x1180]  }
0x82: {  	v17 =	vsel vm2, v22, v17;
	v19 =	vsel vm2, v23, v19;
	v22 =	vsel vm2, v25, v22  }
0x83: {  	v23 =	vsel vm2, $0x9, v23;
	vm1 =	vgt.f32 v24, v17  }
0x84: {  	vm2 =	vgt.f32 v24, v22;
	v17 =	vsel vm1, v24, v17;
	v19 =	vsel vm1, $0xA, v19;
	v25 =	vld [tilespmem:s23+$0x1200]  }
0x85: {  	v17 =	vsel vm2, v22, v17;
	v19 =	vsel vm2, v23, v19;
	v22 =	vsel vm2, v24, v22  }
0x86: {  	v23 =	vsel vm2, $0xA, v23;
	vm1 =	vgt.f32 v21, v17  }
0x87: {  	vm2 =	vgt.f32 v21, v22;
	v17 =	vsel vm1, v21, v17;
	v19 =	vsel vm1, $0xB, v19;
	v24 =	vld [tilespmem:s23+$0x1280]  }
0x88: {  	v21 =	vsel vm2, v21, v22;
	v17 =	vsel vm2, v22, v17;
	v19 =	vsel vm2, v23, v19  }
0x89: {  	v22 =	vsel vm2, $0xB, v23;
	vm1 =	vgt.f32 v25, v17  }
0x8a: {  	vm2 =	vgt.f32 v25, v21;
	v17 =	vsel vm1, v25, v17;
	v19 =	vsel vm1, $0xC, v19;
	v23 =	vld [tilespmem:s23+$0x1300]  }
0x8b: {  	v17 =	vsel vm2, v21, v17;
	v19 =	vsel vm2, v22, v19;
	v21 =	vsel vm2, v25, v21  }
0x8c: {  	v22 =	vsel vm2, $0xC, v22;
	vm1 =	vgt.f32 v24, v17  }
0x8d: {  	vm2 =	vgt.f32 v24, v21;
	v17 =	vsel vm1, v24, v17;
	v19 =	vsel vm1, $0xD, v19;
	v25 =	vld [tilespmem:s23+$0x1380]  }
0x8e: {  	v17 =	vsel vm2, v21, v17;
	v19 =	vsel vm2, v22, v19;
	v21 =	vsel vm2, v24, v21  }
0x8f: {  	v22 =	vsel vm2, $0xD, v22;
	v24 =	vsel vm0, $0x3F800000, v1;
	vm1 =	vgt.f32 v23, v17  }
0x90: {  	vm0 =	vgt.f32 v23, v21;
	v17 =	vsel vm1, v23, v17;
	v19 =	vsel vm1, $0xE, v19  }
0x91: {  	v17 =	vsel vm0, v21, v17;
	v19 =	vsel vm0, v22, v19;
	v21 =	vsel vm0, v23, v21  }
0x92: {  	v13 =	vadd.f32 v20, v13;
	v22 =	vsel vm0, $0xE, v22;
	vm0 =	vgt.f32 v25, v17  }
0x93: {  	vm1 =	vgt.f32 v25, v21;
	v17 =	vsel vm0, v25, v17;
	v19 =	vsel vm0, $0xF, v19  }
0x94: {  	v20 =	vsel vm1, v21, v17;
	v17 =	vsel vm1, v22, v19;
	v21 =	vsel vm1, v25, v21  }
0x95: {  	v13 =	vadd.f32 v24, v13;
	v19 =	vsel vm1, $0xF, v22;
	v20 =	vsub.f32 v20, v21  }
0x96: {  	vm2 =	veq.s32 v19, $0x0;
	vm1 =	veq.s32 v19, $0x1;
	vm4 =	veq.s32 v19, $0xF  }
0x97: {  	vm0 =	veq.s32 v19, $0x3;
	vm5 =	veq.s32 v19, $0x9;
	v20 =	vmul.f32 $1.442695020e+00, v20  }
0x98: {  	vm3 =	veq.s32 v17, $0x2;
	vm8 =	veq.s32 v19, $0x5;
	vm6 =	veq.s32 v19, $0x6  }
0x99: {  	vm7 =	veq.s32 v17, $0x4;
	vm9 =	veq.s32 v19, $0x8;
	(erf) = vpow2.f32 v20  }
0x9a: {  	vm10 =	veq.s32 v19, $0xA;
	vm11 =	veq.s32 v19, $0xB;
	v24 =	vsel vm7, $0x3F800000, v1  }
0x9b: {  	vm12 =	veq.s32 v19, $0xD;
	vm7 =	veq.s32 v17, $0x5;
	v20 =	vsel vm6, $0x3F800000, v1  }
0x9c: {  	vm13 =	veq.s32 v19, $0x7;
	v22 =	vsel vm9, $0x3F800000, v1;
	v21 =	vsel vm7, $0x3F800000, v1  }
0x9d: {  	v25 =	vsel vm12, $0x3F800000, v1;
	vm9 =	veq.s32 v19, $0xE;
	vm6 =	veq.s32 v17, $0xC  }
0x9e: {  	vm7 =	veq.s32 v17, $0x9;
	v7 =	vadd.f32 v20, v7;
	v20 =	vsel vm10, $0x3F800000, v1  }
0x9f: {  	v26 =	vsel vm8, $0x3F800000, v1;
	v27 =	vsel vm11, $0x3F800000, v1;
	vm10 =	veq.s32 v17, $0xD  }
0xa0: {  	vm8 =	veq.s32 v17, $0x8;
	vm11 =	veq.s32 v17, $0xA;
	vm12 =	veq.s32 v17, $0xB  }
0xa1: {  	v2 =	vadd.f32 v22, v2;
	v22 =	vsel vm11, $0x3F800000, v1;
	v23 =	vsel vm9, $0x3F800000, v1  }
0xa2: {  	v28 =	vsel vm8, $0x3F800000, v1;
	v29 =	vsel vm12, $0x3F800000, v1;
	v10 =	vadd.f32 v23, v10;
	v30 =	vpop (erf)  }
0xa3: {  	v32 =	vsel vm13, $0x3F800000, v1;
	vm8 =	veq.s32 v19, $0x2;
	v31 =	vadd.f32 $1.000000000e+00, v30  }
0xa4: {  	vm9 =	veq.s32 v19, $0x4;
	v2 =	vadd.f32 v28, v2;
	v23 =	vsel vm10, $0x3F800000, v1  }
0xa5: {  	v18 =	vadd.f32 v26, v18;
	vm10 =	veq.s32 v17, $0xE;
	(erf) = vrcp.f32 v31  }
0xa6: {  	vm11 =	veq.s32 v19, $0xC;
	v26 =	vsel vm9, $0x3F800000, v1;
	vm9 =	veq.s32 v17, $0x6  }
0xa7: {  	v14 =	vadd.f32 v26, v14;
	v26 =	vsel vm9, $0x3F800000, v1;
	v16 =	vadd.f32 v20, v16  }
0xa8: {  	vm9 =	veq.s32 v17, $0xF;
	v20 =	vsel vm11, $0x3F800000, v1;
	v7 =	vadd.f32 v26, v7  }
0xa9: {  	v26 =	vsel vm5, $0x3F800000, v1;
	v3 =	vadd.f32 v20, v3;
	v20 =	vsel vm4, $0x3F800000, v1  }
0xaa: {  	v5 =	vadd.f32 v26, v5;
	v26 =	vsel vm6, $0x3F800000, v1;
	v4 =	vadd.f32 v20, v4  }
0xab: {  	v20 =	vsel vm7, $0x3F800000, v1;
	v3 =	vadd.f32 v26, v3;
	v26 =	vsel vm9, $0x3F800000, v1  }
0xac: {  	v5 =	vadd.f32 v20, v5;
	v20 =	vsel vm10, $0x3F800000, v1;
	v4 =	vadd.f32 v26, v4  }
.Ltmp0:
0xad: {  	v28 =	vsel vm8, $0x3F800000, v1;
	vm4 =	veq.s32 v17, $0x7;
	v10 =	vadd.f32 v20, v10;
	(pc) =	sbr.rel @p0 .LBB2_2-.Ltmp0, $4  }
0xae: {  	s20 =	sadd.s32 $0x10, s20;
	v6 =	vadd.f32 v27, v6;
	v8 =	vadd.f32 v28, v8;
	v20 =	vsel vm3, $0x3F800000, v1;
	v26 =	vpop (erf)  }
0xaf: {  	v9 =	vadd.f32 v32, v9;
	v15 =	vadd.f32 v25, v15;
	v27 =	vmul.f32 v26, v30;
	[tilespmem:s20+$0x0] =	vst v26  }
0xb0: {  	s21 =	sadd.s32 $0x10, s21;
	s19 =	sadd.s32 $0x80, s19;
	v6 =	vadd.f32 v29, v6;
	v25 =	vsel vm4, $0x3F800000, v1;
	v8 =	vadd.f32 v20, v8  }
0xb1: {  	s18 =	sadd.s32 $0x10, s18;
	s17 =	sadd.s32 $0x10, s17;
	s24 =	smov.u32 s22;
	v14 =	vadd.f32 v24, v14;
	v9 =	vadd.f32 v25, v9;
	v20 =	vsel vm2, $0x3F800000, v1;
	[tilespmem:s21+$0x0] =	vst v27  }
0xb2: {  	[tilespmem:s18+$0x0] =	vst v19  }
0xb3: {  	[tilespmem:s17+$0x0] =	vst v17  }
0xb4: {  	v62 =	vadd.f32 v21, v18;
	[tilespmem:$0x2900] =	vst v8  }
0xb5: {  	[tilespmem:$0x2A00] =	vst v14  }
0xb6: {  	[tilespmem:$0x2A80] =	vst v62  }
0xb7: {  	[tilespmem:$0x2B00] =	vst v7  }
0xb8: {  	[tilespmem:$0x2B80] =	vst v9  }
0xb9: {  	v63 =	vadd.f32 v22, v16;
	[tilespmem:$0x2C00] =	vst v2  }
0xba: {  	[tilespmem:$0x2C80] =	vst v5  }
0xbb: {  	[tilespmem:$0x2D00] =	vst v63  }
0xbc: {  	v13 =	vadd.f32 v20, v13;
	v58 =	vsel vm1, $0x3F800000, v1;
	vm13 =	veq.s32 v17, $0x0;
	[tilespmem:$0x2D80] =	vst v6  }
0xbd: {  	vm14 =	veq.s32 v17, $0x1;
	v60 =	vsel vm0, $0x3F800000, v1;
	v59 =	vsel vm13, $0x3F800000, v1;
	[tilespmem:$0x2E00] =	vst v3  }
0xbe: {  	vm15 =	veq.s32 v17, $0x3;
	v12 =	vadd.f32 v58, v12;
	v13 =	vadd.f32 v59, v13;
	[tilespmem:$0x2F00] =	vst v10  }
0xbf: {  	v61 =	vsel vm14, $0x3F800000, v1;
	v11 =	vadd.f32 v60, v11;
	v2 =	vadd.f32 v23, v15;
	[tilespmem:$0x2F80] =	vst v4  }
0xc0: {  	v17 =	vsel vm15, $0x3F800000, v1;
	v12 =	vadd.f32 v61, v12;
	[tilespmem:$0x2800] =	vst v13  }
0xc1: {  	v11 =	vadd.f32 v17, v11;
	[tilespmem:$0x2E80] =	vst v2  }
0xc2: {  	[tilespmem:$0x2880] =	vst v12  }
0xc3: {  	[tilespmem:$0x2980] =	vst v11  }
0xc4: {  	[hbm4b:s4+s2] =	stream.linear.scatter [tilespmem:s11], [sflag:$0x1], $0x200, $0x38;
	[tilespmem:$0x3000] =	vst v63  }
0xc5: {  	_ =	swait.ge [sflag:s10], $0x200  }
0xc6: {  	[sflag:s10] =	ssyncset.done $0x0  }
0xc7: {  	[sflag:s10] =	ssyncadd.s32 $0xFFFFFE00  }
0xc8: {  	[hbm4b:s5+s2] =	stream.linear.scatter [tilespmem:s12], [sflag:$0x1], $0x200, $0x38;
	[tilespmem:$0x3000] =	vst v63  }
0xc9: {  	_ =	swait.ge [sflag:s10], $0x200  }
0xca: {  	[sflag:s10] =	ssyncset.done $0x0  }
0xcb: {  	[sflag:s10] =	ssyncadd.s32 $0xFFFFFE00  }
0xcc: {  	[hbm4b:s6+s2] =	stream.linear.scatter [tilespmem:s13], [sflag:$0x1], $0x200, $0x38;
	[tilespmem:$0x3000] =	vst v63  }
0xcd: {  	_ =	swait.ge [sflag:s10], $0x200  }
0xce: {  	[sflag:s10] =	ssyncset.done $0x0  }
0xcf: {  	[sflag:s10] =	ssyncadd.s32 $0xFFFFFE00  }
0xd0: {  	[hbm4b:s7+s2] =	stream.linear.scatter [tilespmem:s14], [sflag:$0x1], $0x200, $0x38;
	[tilespmem:$0x3000] =	vst v63  }
0xd1: {  	s16 =	sadd.s32 $0x1, s16;
	_ =	swait.ge [sflag:s10], $0x200  }
0xd2: {  	p0 =	sne.s32 s16, s9;
	[sflag:s10] =	ssyncset.done $0x0  }
.Ltmp1:
0xd3: {  	[sflag:s10] =	ssyncadd.s32 $0xFFFFFE00;
	(pc) =	sbr.rel @p0 .LBB2_1-.Ltmp1, $4  }
0xd4: {  	[hbm4b:s8+s2] =	stream.linear.scatter [tilespmem:s15], [sflag:$0x1], $0x800, $0x38;
	[tilespmem:$0x3000] =	vst v63  }
0xd5: {  	_ =	swait.ge [sflag:s10], $0x800  }
0xd6: {  	[sflag:s10] =	ssyncset.done $0x0  }
0xd7: {  	[sflag:s10] =	ssyncadd.s32 $0xFFFFF800  }
0xd8: {  	_ =	sfence.sel $0x180000  }
0xd9: {  	[bflag:$0x0] =	sbarrier.arrive $0xFFFF  }
0xda: {  	p0 =	sne.s32 s0, $0x0;
	_ =	strace $0x90000047  }
0xdb: {  	s0 =	sadd.s32 @!p0 $0x100000, s1;
	[bflag:$0x2] =	sbarrier.arrive $0xFFFF  }
0xdc: {  	[sflag:s0] =	ssyncadd.tile.s32 @!p0 $0x1;
	_ =	shalt  }
.Lfunc_end2:
_tile_overlayer_lowered:
.L_overlay_start_2:
0xdd: {  	(tag) =	ssettag $0x2  }
0xde: {  	s0 =	rddreg [dreg:$0x0];
	s2 =	stileid.u32  }
0xdf: {  	s1 =	rddreg [dreg:$0x1];
	p0 =	sne.s32 s2, $0x0  }
0xe0: {  	s3 =	rddreg [dreg:$0x2];
	[bflag:$0x3] =	sbarrier.arrive $0xFFFF;
	s2 =	simm.s32 @!p0 $0x1C01  }
0xe1: {  	[timem:s3], [sflag:s2] =	dma.local @!p0 [hbm:s0], s1  }
0xe2: {  	s0 =	simm.s32 @!p0 $0x1  }
0xe3: {  	_ =	swait.ge @!p0 [sflag:s0], s1  }
0xe4: {  	s1 =	ssub.s32 @!p0 $0x0, s1;
	[sflag:s0] =	ssyncset.done @!p0 $0x0  }
0xe5: {  	[sflag:s0] =	ssyncadd.s32 @!p0 s1  }
0xe6: {  	[bflag:$0x3] =	sbarrier.arrive $0xFFFF  }
0xe7: {  	_ =	shalt  }

</sc_bundles>
